<compile_context>
chip_gen: v7x
topology: tpu7x:2x2x1
jax: 0.10.2.dev20260603
libtpu: 0.0.44.dev20260713+nightly
codegen_flags: <defaults>
</compile_context>

<pallas_src>
import functools

import jax
import jax.numpy as jnp
from jax import lax
from jax.experimental import pallas as pl
from jax.experimental.pallas import tpu as pltpu
from jax.experimental.pallas import tpu_sc as plsc

V = 12224
ROW = (11, 1, 256)
B = 4096
NC, NS = 2, 16
NW = NC * NS
BPW = B // NW
C = 8
NCH = BPW // C
NBUF = 5

_mesh = plsc.VectorSubcoreMesh(core_axis_name="c", subcore_axis_name="s")


@functools.partial(
    pl.kernel,
    mesh=_mesh,
    out_type=jax.ShapeDtypeStruct((B,) + ROW, jnp.float32),
    scratch_types=[
        pltpu.VMEM((BPW,), jnp.int32),
    ]
    + [pltpu.VMEM((C,) + ROW, jnp.float32) for _ in range(NBUF)]
    + [pltpu.SemaphoreType.DMA for _ in range(2 * NBUF)],
)
def _sc_gather(table_hbm, idx_hbm, out_hbm, idx_v, *bufs_and_sems):
    bufs = bufs_and_sems[:NBUF]
    gsems = bufs_and_sems[NBUF : 2 * NBUF]
    osems = bufs_and_sems[2 * NBUF :]

    wid = lax.axis_index("s") * NC + lax.axis_index("c")
    base = wid * BPW
    pltpu.sync_copy(idx_hbm.at[pl.ds(base, BPW)], idx_v)

    gops = [None] * NCH
    oops = [None] * NCH
    for ci in range(NBUF):
        gops[ci] = pltpu.async_copy(
            table_hbm.at[idx_v.at[pl.ds(ci * C, C)]], bufs[ci], gsems[ci]
        )
    for ci in range(NCH):
        p = ci % NBUF
        gops[ci].wait()
        oops[ci] = pltpu.async_copy(
            bufs[p], out_hbm.at[pl.ds(base + ci * C, C)], osems[p]
        )
        nxt = ci + NBUF
        if nxt < NCH:
            oops[ci].wait()
            gops[nxt] = pltpu.async_copy(
                table_hbm.at[idx_v.at[pl.ds(nxt * C, C)]], bufs[p], gsems[p]
            )
    for ci in range(NCH - NBUF, NCH):
        oops[ci].wait()


def kernel(table, indices):
    return _sc_gather(table, indices.astype(jnp.int32))

# --- scband reference (transcript-rebuilt; emitter-appended) ---
"""Pipeline reference for scband-trajectory-sub-stacker-37598143710106 (READ-ONLY COPY).

The authoritative reference and input builder live on the scoring server;
editing this copy changes nothing except your own understanding.
"""

import jax, jax.numpy as jnp
import numpy as np

NUM_SAMPLES = 64
TRJ_LEN = 201
SUB_TRJ_LEN = 11
CHANNELS = 1
GRID = 256
NUM_WINDOWS = TRJ_LEN - SUB_TRJ_LEN + 1  # 191
NUM_TOTAL = NUM_SAMPLES * NUM_WINDOWS     # 12224
BATCH = 4096


def stack_sub_trajectories(trj, sub_len):
    # trj: [trj_len, ...] -> [trj_len - sub_len + 1, sub_len, ...]
    n = trj.shape[0] - sub_len + 1
    window_idx = jnp.arange(n)[:, None] + jnp.arange(sub_len)[None, :]
    return trj[window_idx]


def setup_inputs(seed: int = 0) -> dict:
    key = jax.random.key(seed)
    k_data, k_idx = jax.random.split(key)
    # raw trajectories: [num_samples, trj_len, channels, grid]
    data_trajectories = jax.random.normal(
        k_data, (NUM_SAMPLES, TRJ_LEN, CHANNELS, GRID), dtype=jnp.float32
    )
    # __init__ logic (do_sub_stacking=True, only_store_ic=False):
    # vmap sliding-window stacking over the sample axis, then concatenate
    stacked = jax.vmap(stack_sub_trajectories, in_axes=(0, None))(
        data_trajectories, SUB_TRJ_LEN
    )  # [num_samples, num_windows, sub_len, channels, grid]
    table = stacked.reshape((-1,) + stacked.shape[2:])  # jnp.concatenate along axis 0
    indices = jax.random.randint(k_idx, (BATCH,), 0, NUM_TOTAL, dtype=jnp.int64)
    return {"table": table, "indices": indices}


def reference(table, indices):
    # __call__: gather sub-trajectories by row index
    return jnp.take(table, indices, axis=0)

if __name__ == "__main__":
    import jax
    _d = setup_inputs()
    print(jax.jit(kernel)(*tuple(_d.values())))

</pallas_src>

<mosaic_0001>
#map = affine_map<(d0, d1) -> (0, 0, 0, 0)>
#map1 = affine_map<(d0, d1) -> (0)>
module attributes {stable_mosaic.version = 14 : i64} {
  func.func @_sc_gather(%arg0: i32, %arg1: i32, %arg2: memref<12224x11x1x256xf32, #tpu.memory_space<hbm>>, %arg3: memref<4096xi32, #tpu.memory_space<hbm>>, %arg4: memref<4096x11x1x256xf32, #tpu.memory_space<hbm>>, %arg5: memref<128xi32, #tpu.memory_space<vmem>>, %arg6: memref<8x11x1x256xf32, #tpu.memory_space<vmem>>, %arg7: memref<8x11x1x256xf32, #tpu.memory_space<vmem>>, %arg8: memref<8x11x1x256xf32, #tpu.memory_space<vmem>>, %arg9: memref<8x11x1x256xf32, #tpu.memory_space<vmem>>, %arg10: memref<8x11x1x256xf32, #tpu.memory_space<vmem>>, %arg11: memref<!tpu.dma_semaphore, #tpu.memory_space<semaphore_mem>>, %arg12: memref<!tpu.dma_semaphore, #tpu.memory_space<semaphore_mem>>, %arg13: memref<!tpu.dma_semaphore, #tpu.memory_space<semaphore_mem>>, %arg14: memref<!tpu.dma_semaphore, #tpu.memory_space<semaphore_mem>>, %arg15: memref<!tpu.dma_semaphore, #tpu.memory_space<semaphore_mem>>, %arg16: memref<!tpu.dma_semaphore, #tpu.memory_space<semaphore_mem>>, %arg17: memref<!tpu.dma_semaphore, #tpu.memory_space<semaphore_mem>>, %arg18: memref<!tpu.dma_semaphore, #tpu.memory_space<semaphore_mem>>, %arg19: memref<!tpu.dma_semaphore, #tpu.memory_space<semaphore_mem>>, %arg20: memref<!tpu.dma_semaphore, #tpu.memory_space<semaphore_mem>>) attributes {dimension_semantics = [#tpu.dimension_semantics<core_parallel>, #tpu.dimension_semantics<subcore_parallel>], iteration_bounds = array<i64: 2, 16>, scalar_prefetch = 0 : i64, scratch_operands = 16 : i64, tpu.core_type = #tpu.core_type<sc_vector_subcore>, window_params = [{transform_indices = #map}, {transform_indices = #map1}, {transform_indices = #map}]} {
    %mul3A = arith.constant 2 : i32
    %mul3A_0 = arith.muli %arg1, %mul3A : i32
    %add3A = arith.addi %mul3A_0, %arg0 : i32
    %mul3A_1 = arith.constant 128 : i32
    %mul3A_2 = arith.muli %add3A, %mul3A_1 : i32
    "tpu.region"() ({
      %run_scoped3A = tpu.sem_alloc : memref<!tpu.dma_semaphore, #tpu.memory_space<semaphore_mem>>
      %dma_start3A_513 = tpu.memref_slice %arg3[%mul3A_2] : memref<4096xi32, #tpu.memory_space<hbm>> -> memref<128xi32, #tpu.memory_space<hbm>>
      %dma_start3A_514 = tpu.memref_slice %arg3[%mul3A_2] : memref<4096xi32, #tpu.memory_space<hbm>> -> memref<128xi32, #tpu.memory_space<hbm>>
      tpu.enqueue_dma source(%dma_start3A_514 : memref<128xi32, #tpu.memory_space<hbm>>) target(%arg5 : memref<128xi32, #tpu.memory_space<vmem>>) target_semaphore(%run_scoped3A : memref<!tpu.dma_semaphore, #tpu.memory_space<semaphore_mem>>)
      %dma_wait3A_515 = tpu.memref_slice %arg3[%mul3A_2] : memref<4096xi32, #tpu.memory_space<hbm>> -> memref<128xi32, #tpu.memory_space<hbm>>
      %dma_wait3A_516 = tpu.memref_slice %arg3[%mul3A_2] : memref<4096xi32, #tpu.memory_space<hbm>> -> memref<128xi32, #tpu.memory_space<hbm>>
      tpu.wait_dma2 semaphore(%run_scoped3A : memref<!tpu.dma_semaphore, #tpu.memory_space<semaphore_mem>>) src(%dma_wait3A_516 : memref<128xi32, #tpu.memory_space<hbm>>) dst(%arg5 : memref<128xi32, #tpu.memory_space<vmem>>)
      tpu.yield
    }) : () -> ()
    %dma_start3A = arith.constant 0 : i32
    %dma_start3A_3 = tpu.memref_slice %arg5[%dma_start3A] : memref<128xi32, #tpu.memory_space<vmem>> -> memref<8xi32, #tpu.memory_space<vmem>>
    %dma_start3A_4 = arith.constant 0 : i32
    %dma_start3A_5 = arith.constant 0 : i32
    %dma_start3A_6 = arith.constant 0 : i32
    %dma_start3A_7 = arith.constant 0 : i32
    %dma_start3A_8 = tpu.memref_slice %arg2[%dma_start3A_4, %dma_start3A_5, %dma_start3A_6, %dma_start3A_7] : memref<12224x11x1x256xf32, #tpu.memory_space<hbm>> -> memref<12224x11x1x256xf32, #tpu.memory_space<hbm>>
    tpu.enqueue_indirect_dma source(%dma_start3A_8 : memref<12224x11x1x256xf32, #tpu.memory_space<hbm>>) target(%arg6 : memref<8x11x1x256xf32, #tpu.memory_space<vmem>>) offsets(%dma_start3A_3 : memref<8xi32, #tpu.memory_space<vmem>>) semaphore(%arg11 : memref<!tpu.dma_semaphore, #tpu.memory_space<semaphore_mem>>)
    %dma_start3A_9 = arith.constant 8 : i32
    %dma_start3A_10 = tpu.memref_slice %arg5[%dma_start3A_9] : memref<128xi32, #tpu.memory_space<vmem>> -> memref<8xi32, #tpu.memory_space<vmem>>
    %dma_start3A_11 = arith.constant 0 : i32
    %dma_start3A_12 = arith.constant 0 : i32
    %dma_start3A_13 = arith.constant 0 : i32
    %dma_start3A_14 = arith.constant 0 : i32
    %dma_start3A_15 = tpu.memref_slice %arg2[%dma_start3A_11, %dma_start3A_12, %dma_start3A_13, %dma_start3A_14] : memref<12224x11x1x256xf32, #tpu.memory_space<hbm>> -> memref<12224x11x1x256xf32, #tpu.memory_space<hbm>>
    tpu.enqueue_indirect_dma source(%dma_start3A_15 : memref<12224x11x1x256xf32, #tpu.memory_space<hbm>>) target(%arg7 : memref<8x11x1x256xf32, #tpu.memory_space<vmem>>) offsets(%dma_start3A_10 : memref<8xi32, #tpu.memory_space<vmem>>) semaphore(%arg12 : memref<!tpu.dma_semaphore, #tpu.memory_space<semaphore_mem>>)
    %dma_start3A_16 = arith.constant 16 : i32
    %dma_start3A_17 = tpu.memref_slice %arg5[%dma_start3A_16] : memref<128xi32, #tpu.memory_space<vmem>> -> memref<8xi32, #tpu.memory_space<vmem>>
    %dma_start3A_18 = arith.constant 0 : i32
    %dma_start3A_19 = arith.constant 0 : i32
    %dma_start3A_20 = arith.constant 0 : i32
    %dma_start3A_21 = arith.constant 0 : i32
    %dma_start3A_22 = tpu.memref_slice %arg2[%dma_start3A_18, %dma_start3A_19, %dma_start3A_20, %dma_start3A_21] : memref<12224x11x1x256xf32, #tpu.memory_space<hbm>> -> memref<12224x11x1x256xf32, #tpu.memory_space<hbm>>
    tpu.enqueue_indirect_dma source(%dma_start3A_22 : memref<12224x11x1x256xf32, #tpu.memory_space<hbm>>) target(%arg8 : memref<8x11x1x256xf32, #tpu.memory_space<vmem>>) offsets(%dma_start3A_17 : memref<8xi32, #tpu.memory_space<vmem>>) semaphore(%arg13 : memref<!tpu.dma_semaphore, #tpu.memory_space<semaphore_mem>>)
    %dma_start3A_23 = arith.constant 24 : i32
    %dma_start3A_24 = tpu.memref_slice %arg5[%dma_start3A_23] : memref<128xi32, #tpu.memory_space<vmem>> -> memref<8xi32, #tpu.memory_space<vmem>>
    %dma_start3A_25 = arith.constant 0 : i32
    %dma_start3A_26 = arith.constant 0 : i32
    %dma_start3A_27 = arith.constant 0 : i32
    %dma_start3A_28 = arith.constant 0 : i32
    %dma_start3A_29 = tpu.memref_slice %arg2[%dma_start3A_25, %dma_start3A_26, %dma_start3A_27, %dma_start3A_28] : memref<12224x11x1x256xf32, #tpu.memory_space<hbm>> -> memref<12224x11x1x256xf32, #tpu.memory_space<hbm>>
    tpu.enqueue_indirect_dma source(%dma_start3A_29 : memref<12224x11x1x256xf32, #tpu.memory_space<hbm>>) target(%arg9 : memref<8x11x1x256xf32, #tpu.memory_space<vmem>>) offsets(%dma_start3A_24 : memref<8xi32, #tpu.memory_space<vmem>>) semaphore(%arg14 : memref<!tpu.dma_semaphore, #tpu.memory_space<semaphore_mem>>)
    %dma_start3A_30 = arith.constant 32 : i32
    %dma_start3A_31 = tpu.memref_slice %arg5[%dma_start3A_30] : memref<128xi32, #tpu.memory_space<vmem>> -> memref<8xi32, #tpu.memory_space<vmem>>
    %dma_start3A_32 = arith.constant 0 : i32
    %dma_start3A_33 = arith.constant 0 : i32
    %dma_start3A_34 = arith.constant 0 : i32
    %dma_start3A_35 = arith.constant 0 : i32
    %dma_start3A_36 = tpu.memref_slice %arg2[%dma_start3A_32, %dma_start3A_33, %dma_start3A_34, %dma_start3A_35] : memref<12224x11x1x256xf32, #tpu.memory_space<hbm>> -> memref<12224x11x1x256xf32, #tpu.memory_space<hbm>>
    tpu.enqueue_indirect_dma source(%dma_start3A_36 : memref<12224x11x1x256xf32, #tpu.memory_space<hbm>>) target(%arg10 : memref<8x11x1x256xf32, #tpu.memory_space<vmem>>) offsets(%dma_start3A_31 : memref<8xi32, #tpu.memory_space<vmem>>) semaphore(%arg15 : memref<!tpu.dma_semaphore, #tpu.memory_space<semaphore_mem>>)
    %dma_wait3A = arith.constant 0 : i32
    %dma_wait3A_37 = tpu.memref_slice %arg5[%dma_wait3A] : memref<128xi32, #tpu.memory_space<vmem>> -> memref<8xi32, #tpu.memory_space<vmem>>
    %dma_wait3A_38 = arith.constant 0 : i32
    %dma_wait3A_39 = arith.constant 0 : i32
    %dma_wait3A_40 = arith.constant 0 : i32
    %dma_wait3A_41 = arith.constant 0 : i32
    %dma_wait3A_42 = tpu.memref_slice %arg2[%dma_wait3A_38, %dma_wait3A_39, %dma_wait3A_40, %dma_wait3A_41] : memref<12224x11x1x256xf32, #tpu.memory_space<hbm>> -> memref<12224x11x1x256xf32, #tpu.memory_space<hbm>>
    tpu.wait_indirect_dma semaphore(%arg11 : memref<!tpu.dma_semaphore, #tpu.memory_space<semaphore_mem>>) src(%dma_wait3A_42 : memref<12224x11x1x256xf32, #tpu.memory_space<hbm>>) dst(%arg6 : memref<8x11x1x256xf32, #tpu.memory_space<vmem>>)
    %add3A_43 = arith.constant 0 : i32
    %add3A_44 = arith.addi %mul3A_2, %add3A_43 : i32
    %dma_start3A_45 = arith.constant 0 : i32
    %dma_start3A_46 = arith.constant 0 : i32
    %dma_start3A_47 = arith.constant 0 : i32
    %dma_start3A_48 = tpu.memref_slice %arg4[%add3A_44, %dma_start3A_45, %dma_start3A_46, %dma_start3A_47] : memref<4096x11x1x256xf32, #tpu.memory_space<hbm>> -> memref<8x11x1x256xf32, #tpu.memory_space<hbm>>
    %dma_start3A_49 = arith.constant 0 : i32
    %dma_start3A_50 = arith.constant 0 : i32
    %dma_start3A_51 = arith.constant 0 : i32
    %dma_start3A_52 = tpu.memref_slice %arg4[%add3A_44, %dma_start3A_49, %dma_start3A_50, %dma_start3A_51] : memref<4096x11x1x256xf32, #tpu.memory_space<hbm>> -> memref<8x11x1x256xf32, #tpu.memory_space<hbm>>
    tpu.enqueue_dma source(%arg6 : memref<8x11x1x256xf32, #tpu.memory_space<vmem>>) target(%dma_start3A_52 : memref<8x11x1x256xf32, #tpu.memory_space<hbm>>) target_semaphore(%arg16 : memref<!tpu.dma_semaphore, #tpu.memory_space<semaphore_mem>>)
    %dma_wait3A_53 = arith.constant 0 : i32
    %dma_wait3A_54 = arith.constant 0 : i32
    %dma_wait3A_55 = arith.constant 0 : i32
    %dma_wait3A_56 = tpu.memref_slice %arg4[%add3A_44, %dma_wait3A_53, %dma_wait3A_54, %dma_wait3A_55] : memref<4096x11x1x256xf32, #tpu.memory_space<hbm>> -> memref<8x11x1x256xf32, #tpu.memory_space<hbm>>
    %dma_wait3A_57 = arith.constant 0 : i32
    %dma_wait3A_58 = arith.constant 0 : i32
    %dma_wait3A_59 = arith.constant 0 : i32
    %dma_wait3A_60 = tpu.memref_slice %arg4[%add3A_44, %dma_wait3A_57, %dma_wait3A_58, %dma_wait3A_59] : memref<4096x11x1x256xf32, #tpu.memory_space<hbm>> -> memref<8x11x1x256xf32, #tpu.memory_space<hbm>>
    tpu.wait_dma2 semaphore(%arg16 : memref<!tpu.dma_semaphore, #tpu.memory_space<semaphore_mem>>) src(%arg6 : memref<8x11x1x256xf32, #tpu.memory_space<vmem>>) dst(%dma_wait3A_60 : memref<8x11x1x256xf32, #tpu.memory_space<hbm>>)
    %dma_start3A_61 = arith.constant 40 : i32
    %dma_start3A_62 = tpu.memref_slice %arg5[%dma_start3A_61] : memref<128xi32, #tpu.memory_space<vmem>> -> memref<8xi32, #tpu.memory_space<vmem>>
    %dma_start3A_63 = arith.constant 0 : i32
    %dma_start3A_64 = arith.constant 0 : i32
    %dma_start3A_65 = arith.constant 0 : i32
    %dma_start3A_66 = arith.constant 0 : i32
    %dma_start3A_67 = tpu.memref_slice %arg2[%dma_start3A_63, %dma_start3A_64, %dma_start3A_65, %dma_start3A_66] : memref<12224x11x1x256xf32, #tpu.memory_space<hbm>> -> memref<12224x11x1x256xf32, #tpu.memory_space<hbm>>
    tpu.enqueue_indirect_dma source(%dma_start3A_67 : memref<12224x11x1x256xf32, #tpu.memory_space<hbm>>) target(%arg6 : memref<8x11x1x256xf32, #tpu.memory_space<vmem>>) offsets(%dma_start3A_62 : memref<8xi32, #tpu.memory_space<vmem>>) semaphore(%arg11 : memref<!tpu.dma_semaphore, #tpu.memory_space<semaphore_mem>>)
    %dma_wait3A_68 = arith.constant 8 : i32
    %dma_wait3A_69 = tpu.memref_slice %arg5[%dma_wait3A_68] : memref<128xi32, #tpu.memory_space<vmem>> -> memref<8xi32, #tpu.memory_space<vmem>>
    %dma_wait3A_70 = arith.constant 0 : i32
    %dma_wait3A_71 = arith.constant 0 : i32
    %dma_wait3A_72 = arith.constant 0 : i32
    %dma_wait3A_73 = arith.constant 0 : i32
    %dma_wait3A_74 = tpu.memref_slice %arg2[%dma_wait3A_70, %dma_wait3A_71, %dma_wait3A_72, %dma_wait3A_73] : memref<12224x11x1x256xf32, #tpu.memory_space<hbm>> -> memref<12224x11x1x256xf32, #tpu.memory_space<hbm>>
    tpu.wait_indirect_dma semaphore(%arg12 : memref<!tpu.dma_semaphore, #tpu.memory_space<semaphore_mem>>) src(%dma_wait3A_74 : memref<12224x11x1x256xf32, #tpu.memory_space<hbm>>) dst(%arg7 : memref<8x11x1x256xf32, #tpu.memory_space<vmem>>)
    %add3A_75 = arith.constant 8 : i32
    %add3A_76 = arith.addi %mul3A_2, %add3A_75 : i32
    %dma_start3A_77 = arith.constant 0 : i32
    %dma_start3A_78 = arith.constant 0 : i32
    %dma_start3A_79 = arith.constant 0 : i32
    %dma_start3A_80 = tpu.memref_slice %arg4[%add3A_76, %dma_start3A_77, %dma_start3A_78, %dma_start3A_79] : memref<4096x11x1x256xf32, #tpu.memory_space<hbm>> -> memref<8x11x1x256xf32, #tpu.memory_space<hbm>>
    %dma_start3A_81 = arith.constant 0 : i32
    %dma_start3A_82 = arith.constant 0 : i32
    %dma_start3A_83 = arith.constant 0 : i32
    %dma_start3A_84 = tpu.memref_slice %arg4[%add3A_76, %dma_start3A_81, %dma_start3A_82, %dma_start3A_83] : memref<4096x11x1x256xf32, #tpu.memory_space<hbm>> -> memref<8x11x1x256xf32, #tpu.memory_space<hbm>>
    tpu.enqueue_dma source(%arg7 : memref<8x11x1x256xf32, #tpu.memory_space<vmem>>) target(%dma_start3A_84 : memref<8x11x1x256xf32, #tpu.memory_space<hbm>>) target_semaphore(%arg17 : memref<!tpu.dma_semaphore, #tpu.memory_space<semaphore_mem>>)
    %dma_wait3A_85 = arith.constant 0 : i32
    %dma_wait3A_86 = arith.constant 0 : i32
    %dma_wait3A_87 = arith.constant 0 : i32
    %dma_wait3A_88 = tpu.memref_slice %arg4[%add3A_76, %dma_wait3A_85, %dma_wait3A_86, %dma_wait3A_87] : memref<4096x11x1x256xf32, #tpu.memory_space<hbm>> -> memref<8x11x1x256xf32, #tpu.memory_space<hbm>>
    %dma_wait3A_89 = arith.constant 0 : i32
    %dma_wait3A_90 = arith.constant 0 : i32
    %dma_wait3A_91 = arith.constant 0 : i32
    %dma_wait3A_92 = tpu.memref_slice %arg4[%add3A_76, %dma_wait3A_89, %dma_wait3A_90, %dma_wait3A_91] : memref<4096x11x1x256xf32, #tpu.memory_space<hbm>> -> memref<8x11x1x256xf32, #tpu.memory_space<hbm>>
    tpu.wait_dma2 semaphore(%arg17 : memref<!tpu.dma_semaphore, #tpu.memory_space<semaphore_mem>>) src(%arg7 : memref<8x11x1x256xf32, #tpu.memory_space<vmem>>) dst(%dma_wait3A_92 : memref<8x11x1x256xf32, #tpu.memory_space<hbm>>)
    %dma_start3A_93 = arith.constant 48 : i32
    %dma_start3A_94 = tpu.memref_slice %arg5[%dma_start3A_93] : memref<128xi32, #tpu.memory_space<vmem>> -> memref<8xi32, #tpu.memory_space<vmem>>
    %dma_start3A_95 = arith.constant 0 : i32
    %dma_start3A_96 = arith.constant 0 : i32
    %dma_start3A_97 = arith.constant 0 : i32
    %dma_start3A_98 = arith.constant 0 : i32
    %dma_start3A_99 = tpu.memref_slice %arg2[%dma_start3A_95, %dma_start3A_96, %dma_start3A_97, %dma_start3A_98] : memref<12224x11x1x256xf32, #tpu.memory_space<hbm>> -> memref<12224x11x1x256xf32, #tpu.memory_space<hbm>>
    tpu.enqueue_indirect_dma source(%dma_start3A_99 : memref<12224x11x1x256xf32, #tpu.memory_space<hbm>>) target(%arg7 : memref<8x11x1x256xf32, #tpu.memory_space<vmem>>) offsets(%dma_start3A_94 : memref<8xi32, #tpu.memory_space<vmem>>) semaphore(%arg12 : memref<!tpu.dma_semaphore, #tpu.memory_space<semaphore_mem>>)
    %dma_wait3A_100 = arith.constant 16 : i32
    %dma_wait3A_101 = tpu.memref_slice %arg5[%dma_wait3A_100] : memref<128xi32, #tpu.memory_space<vmem>> -> memref<8xi32, #tpu.memory_space<vmem>>
    %dma_wait3A_102 = arith.constant 0 : i32
    %dma_wait3A_103 = arith.constant 0 : i32
    %dma_wait3A_104 = arith.constant 0 : i32
    %dma_wait3A_105 = arith.constant 0 : i32
    %dma_wait3A_106 = tpu.memref_slice %arg2[%dma_wait3A_102, %dma_wait3A_103, %dma_wait3A_104, %dma_wait3A_105] : memref<12224x11x1x256xf32, #tpu.memory_space<hbm>> -> memref<12224x11x1x256xf32, #tpu.memory_space<hbm>>
    tpu.wait_indirect_dma semaphore(%arg13 : memref<!tpu.dma_semaphore, #tpu.memory_space<semaphore_mem>>) src(%dma_wait3A_106 : memref<12224x11x1x256xf32, #tpu.memory_space<hbm>>) dst(%arg8 : memref<8x11x1x256xf32, #tpu.memory_space<vmem>>)
    %add3A_107 = arith.constant 16 : i32
    %add3A_108 = arith.addi %mul3A_2, %add3A_107 : i32
    %dma_start3A_109 = arith.constant 0 : i32
    %dma_start3A_110 = arith.constant 0 : i32
    %dma_start3A_111 = arith.constant 0 : i32
    %dma_start3A_112 = tpu.memref_slice %arg4[%add3A_108, %dma_start3A_109, %dma_start3A_110, %dma_start3A_111] : memref<4096x11x1x256xf32, #tpu.memory_space<hbm>> -> memref<8x11x1x256xf32, #tpu.memory_space<hbm>>
    %dma_start3A_113 = arith.constant 0 : i32
    %dma_start3A_114 = arith.constant 0 : i32
    %dma_start3A_115 = arith.constant 0 : i32
    %dma_start3A_116 = tpu.memref_slice %arg4[%add3A_108, %dma_start3A_113, %dma_start3A_114, %dma_start3A_115] : memref<4096x11x1x256xf32, #tpu.memory_space<hbm>> -> memref<8x11x1x256xf32, #tpu.memory_space<hbm>>
    tpu.enqueue_dma source(%arg8 : memref<8x11x1x256xf32, #tpu.memory_space<vmem>>) target(%dma_start3A_116 : memref<8x11x1x256xf32, #tpu.memory_space<hbm>>) target_semaphore(%arg18 : memref<!tpu.dma_semaphore, #tpu.memory_space<semaphore_mem>>)
    %dma_wait3A_117 = arith.constant 0 : i32
    %dma_wait3A_118 = arith.constant 0 : i32
    %dma_wait3A_119 = arith.constant 0 : i32
    %dma_wait3A_120 = tpu.memref_slice %arg4[%add3A_108, %dma_wait3A_117, %dma_wait3A_118, %dma_wait3A_119] : memref<4096x11x1x256xf32, #tpu.memory_space<hbm>> -> memref<8x11x1x256xf32, #tpu.memory_space<hbm>>
    %dma_wait3A_121 = arith.constant 0 : i32
    %dma_wait3A_122 = arith.constant 0 : i32
    %dma_wait3A_123 = arith.constant 0 : i32
    %dma_wait3A_124 = tpu.memref_slice %arg4[%add3A_108, %dma_wait3A_121, %dma_wait3A_122, %dma_wait3A_123] : memref<4096x11x1x256xf32, #tpu.memory_space<hbm>> -> memref<8x11x1x256xf32, #tpu.memory_space<hbm>>
    tpu.wait_dma2 semaphore(%arg18 : memref<!tpu.dma_semaphore, #tpu.memory_space<semaphore_mem>>) src(%arg8 : memref<8x11x1x256xf32, #tpu.memory_space<vmem>>) dst(%dma_wait3A_124 : memref<8x11x1x256xf32, #tpu.memory_space<hbm>>)
    %dma_start3A_125 = arith.constant 56 : i32
    %dma_start3A_126 = tpu.memref_slice %arg5[%dma_start3A_125] : memref<128xi32, #tpu.memory_space<vmem>> -> memref<8xi32, #tpu.memory_space<vmem>>
    %dma_start3A_127 = arith.constant 0 : i32
    %dma_start3A_128 = arith.constant 0 : i32
    %dma_start3A_129 = arith.constant 0 : i32
    %dma_start3A_130 = arith.constant 0 : i32
    %dma_start3A_131 = tpu.memref_slice %arg2[%dma_start3A_127, %dma_start3A_128, %dma_start3A_129, %dma_start3A_130] : memref<12224x11x1x256xf32, #tpu.memory_space<hbm>> -> memref<12224x11x1x256xf32, #tpu.memory_space<hbm>>
    tpu.enqueue_indirect_dma source(%dma_start3A_131 : memref<12224x11x1x256xf32, #tpu.memory_space<hbm>>) target(%arg8 : memref<8x11x1x256xf32, #tpu.memory_space<vmem>>) offsets(%dma_start3A_126 : memref<8xi32, #tpu.memory_space<vmem>>) semaphore(%arg13 : memref<!tpu.dma_semaphore, #tpu.memory_space<semaphore_mem>>)
    %dma_wait3A_132 = arith.constant 24 : i32
    %dma_wait3A_133 = tpu.memref_slice %arg5[%dma_wait3A_132] : memref<128xi32, #tpu.memory_space<vmem>> -> memref<8xi32, #tpu.memory_space<vmem>>
    %dma_wait3A_134 = arith.constant 0 : i32
    %dma_wait3A_135 = arith.constant 0 : i32
    %dma_wait3A_136 = arith.constant 0 : i32
    %dma_wait3A_137 = arith.constant 0 : i32
    %dma_wait3A_138 = tpu.memref_slice %arg2[%dma_wait3A_134, %dma_wait3A_135, %dma_wait3A_136, %dma_wait3A_137] : memref<12224x11x1x256xf32, #tpu.memory_space<hbm>> -> memref<12224x11x1x256xf32, #tpu.memory_space<hbm>>
    tpu.wait_indirect_dma semaphore(%arg14 : memref<!tpu.dma_semaphore, #tpu.memory_space<semaphore_mem>>) src(%dma_wait3A_138 : memref<12224x11x1x256xf32, #tpu.memory_space<hbm>>) dst(%arg9 : memref<8x11x1x256xf32, #tpu.memory_space<vmem>>)
    %add3A_139 = arith.constant 24 : i32
    %add3A_140 = arith.addi %mul3A_2, %add3A_139 : i32
    %dma_start3A_141 = arith.constant 0 : i32
    %dma_start3A_142 = arith.constant 0 : i32
    %dma_start3A_143 = arith.constant 0 : i32
    %dma_start3A_144 = tpu.memref_slice %arg4[%add3A_140, %dma_start3A_141, %dma_start3A_142, %dma_start3A_143] : memref<4096x11x1x256xf32, #tpu.memory_space<hbm>> -> memref<8x11x1x256xf32, #tpu.memory_space<hbm>>
    %dma_start3A_145 = arith.constant 0 : i32
    %dma_start3A_146 = arith.constant 0 : i32
    %dma_start3A_147 = arith.constant 0 : i32
    %dma_start3A_148 = tpu.memref_slice %arg4[%add3A_140, %dma_start3A_145, %dma_start3A_146, %dma_start3A_147] : memref<4096x11x1x256xf32, #tpu.memory_space<hbm>> -> memref<8x11x1x256xf32, #tpu.memory_space<hbm>>
    tpu.enqueue_dma source(%arg9 : memref<8x11x1x256xf32, #tpu.memory_space<vmem>>) target(%dma_start3A_148 : memref<8x11x1x256xf32, #tpu.memory_space<hbm>>) target_semaphore(%arg19 : memref<!tpu.dma_semaphore, #tpu.memory_space<semaphore_mem>>)
    %dma_wait3A_149 = arith.constant 0 : i32
    %dma_wait3A_150 = arith.constant 0 : i32
    %dma_wait3A_151 = arith.constant 0 : i32
    %dma_wait3A_152 = tpu.memref_slice %arg4[%add3A_140, %dma_wait3A_149, %dma_wait3A_150, %dma_wait3A_151] : memref<4096x11x1x256xf32, #tpu.memory_space<hbm>> -> memref<8x11x1x256xf32, #tpu.memory_space<hbm>>
    %dma_wait3A_153 = arith.constant 0 : i32
    %dma_wait3A_154 = arith.constant 0 : i32
    %dma_wait3A_155 = arith.constant 0 : i32
    %dma_wait3A_156 = tpu.memref_slice %arg4[%add3A_140, %dma_wait3A_153, %dma_wait3A_154, %dma_wait3A_155] : memref<4096x11x1x256xf32, #tpu.memory_space<hbm>> -> memref<8x11x1x256xf32, #tpu.memory_space<hbm>>
    tpu.wait_dma2 semaphore(%arg19 : memref<!tpu.dma_semaphore, #tpu.memory_space<semaphore_mem>>) src(%arg9 : memref<8x11x1x256xf32, #tpu.memory_space<vmem>>) dst(%dma_wait3A_156 : memref<8x11x1x256xf32, #tpu.memory_space<hbm>>)
    %dma_start3A_157 = arith.constant 64 : i32
    %dma_start3A_158 = tpu.memref_slice %arg5[%dma_start3A_157] : memref<128xi32, #tpu.memory_space<vmem>> -> memref<8xi32, #tpu.memory_space<vmem>>
    %dma_start3A_159 = arith.constant 0 : i32
    %dma_start3A_160 = arith.constant 0 : i32
    %dma_start3A_161 = arith.constant 0 : i32
    %dma_start3A_162 = arith.constant 0 : i32
    %dma_start3A_163 = tpu.memref_slice %arg2[%dma_start3A_159, %dma_start3A_160, %dma_start3A_161, %dma_start3A_162] : memref<12224x11x1x256xf32, #tpu.memory_space<hbm>> -> memref<12224x11x1x256xf32, #tpu.memory_space<hbm>>
    tpu.enqueue_indirect_dma source(%dma_start3A_163 : memref<12224x11x1x256xf32, #tpu.memory_space<hbm>>) target(%arg9 : memref<8x11x1x256xf32, #tpu.memory_space<vmem>>) offsets(%dma_start3A_158 : memref<8xi32, #tpu.memory_space<vmem>>) semaphore(%arg14 : memref<!tpu.dma_semaphore, #tpu.memory_space<semaphore_mem>>)
    %dma_wait3A_164 = arith.constant 32 : i32
    %dma_wait3A_165 = tpu.memref_slice %arg5[%dma_wait3A_164] : memref<128xi32, #tpu.memory_space<vmem>> -> memref<8xi32, #tpu.memory_space<vmem>>
    %dma_wait3A_166 = arith.constant 0 : i32
    %dma_wait3A_167 = arith.constant 0 : i32
    %dma_wait3A_168 = arith.constant 0 : i32
    %dma_wait3A_169 = arith.constant 0 : i32
    %dma_wait3A_170 = tpu.memref_slice %arg2[%dma_wait3A_166, %dma_wait3A_167, %dma_wait3A_168, %dma_wait3A_169] : memref<12224x11x1x256xf32, #tpu.memory_space<hbm>> -> memref<12224x11x1x256xf32, #tpu.memory_space<hbm>>
    tpu.wait_indirect_dma semaphore(%arg15 : memref<!tpu.dma_semaphore, #tpu.memory_space<semaphore_mem>>) src(%dma_wait3A_170 : memref<12224x11x1x256xf32, #tpu.memory_space<hbm>>) dst(%arg10 : memref<8x11x1x256xf32, #tpu.memory_space<vmem>>)
    %add3A_171 = arith.constant 32 : i32
    %add3A_172 = arith.addi %mul3A_2, %add3A_171 : i32
    %dma_start3A_173 = arith.constant 0 : i32
    %dma_start3A_174 = arith.constant 0 : i32
    %dma_start3A_175 = arith.constant 0 : i32
    %dma_start3A_176 = tpu.memref_slice %arg4[%add3A_172, %dma_start3A_173, %dma_start3A_174, %dma_start3A_175] : memref<4096x11x1x256xf32, #tpu.memory_space<hbm>> -> memref<8x11x1x256xf32, #tpu.memory_space<hbm>>
    %dma_start3A_177 = arith.constant 0 : i32
    %dma_start3A_178 = arith.constant 0 : i32
    %dma_start3A_179 = arith.constant 0 : i32
    %dma_start3A_180 = tpu.memref_slice %arg4[%add3A_172, %dma_start3A_177, %dma_start3A_178, %dma_start3A_179] : memref<4096x11x1x256xf32, #tpu.memory_space<hbm>> -> memref<8x11x1x256xf32, #tpu.memory_space<hbm>>
    tpu.enqueue_dma source(%arg10 : memref<8x11x1x256xf32, #tpu.memory_space<vmem>>) target(%dma_start3A_180 : memref<8x11x1x256xf32, #tpu.memory_space<hbm>>) target_semaphore(%arg20 : memref<!tpu.dma_semaphore, #tpu.memory_space<semaphore_mem>>)
    %dma_wait3A_181 = arith.constant 0 : i32
    %dma_wait3A_182 = arith.constant 0 : i32
    %dma_wait3A_183 = arith.constant 0 : i32
    %dma_wait3A_184 = tpu.memref_slice %arg4[%add3A_172, %dma_wait3A_181, %dma_wait3A_182, %dma_wait3A_183] : memref<4096x11x1x256xf32, #tpu.memory_space<hbm>> -> memref<8x11x1x256xf32, #tpu.memory_space<hbm>>
    %dma_wait3A_185 = arith.constant 0 : i32
    %dma_wait3A_186 = arith.constant 0 : i32
    %dma_wait3A_187 = arith.constant 0 : i32
    %dma_wait3A_188 = tpu.memref_slice %arg4[%add3A_172, %dma_wait3A_185, %dma_wait3A_186, %dma_wait3A_187] : memref<4096x11x1x256xf32, #tpu.memory_space<hbm>> -> memref<8x11x1x256xf32, #tpu.memory_space<hbm>>
    tpu.wait_dma2 semaphore(%arg20 : memref<!tpu.dma_semaphore, #tpu.memory_space<semaphore_mem>>) src(%arg10 : memref<8x11x1x256xf32, #tpu.memory_space<vmem>>) dst(%dma_wait3A_188 : memref<8x11x1x256xf32, #tpu.memory_space<hbm>>)
    %dma_start3A_189 = arith.constant 72 : i32
    %dma_start3A_190 = tpu.memref_slice %arg5[%dma_start3A_189] : memref<128xi32, #tpu.memory_space<vmem>> -> memref<8xi32, #tpu.memory_space<vmem>>
    %dma_start3A_191 = arith.constant 0 : i32
    %dma_start3A_192 = arith.constant 0 : i32
    %dma_start3A_193 = arith.constant 0 : i32
    %dma_start3A_194 = arith.constant 0 : i32
    %dma_start3A_195 = tpu.memref_slice %arg2[%dma_start3A_191, %dma_start3A_192, %dma_start3A_193, %dma_start3A_194] : memref<12224x11x1x256xf32, #tpu.memory_space<hbm>> -> memref<12224x11x1x256xf32, #tpu.memory_space<hbm>>
    tpu.enqueue_indirect_dma source(%dma_start3A_195 : memref<12224x11x1x256xf32, #tpu.memory_space<hbm>>) target(%arg10 : memref<8x11x1x256xf32, #tpu.memory_space<vmem>>) offsets(%dma_start3A_190 : memref<8xi32, #tpu.memory_space<vmem>>) semaphore(%arg15 : memref<!tpu.dma_semaphore, #tpu.memory_space<semaphore_mem>>)
    %dma_wait3A_196 = arith.constant 40 : i32
    %dma_wait3A_197 = tpu.memref_slice %arg5[%dma_wait3A_196] : memref<128xi32, #tpu.memory_space<vmem>> -> memref<8xi32, #tpu.memory_space<vmem>>
    %dma_wait3A_198 = arith.constant 0 : i32
    %dma_wait3A_199 = arith.constant 0 : i32
    %dma_wait3A_200 = arith.constant 0 : i32
    %dma_wait3A_201 = arith.constant 0 : i32
    %dma_wait3A_202 = tpu.memref_slice %arg2[%dma_wait3A_198, %dma_wait3A_199, %dma_wait3A_200, %dma_wait3A_201] : memref<12224x11x1x256xf32, #tpu.memory_space<hbm>> -> memref<12224x11x1x256xf32, #tpu.memory_space<hbm>>
    tpu.wait_indirect_dma semaphore(%arg11 : memref<!tpu.dma_semaphore, #tpu.memory_space<semaphore_mem>>) src(%dma_wait3A_202 : memref<12224x11x1x256xf32, #tpu.memory_space<hbm>>) dst(%arg6 : memref<8x11x1x256xf32, #tpu.memory_space<vmem>>)
    %add3A_203 = arith.constant 40 : i32
    %add3A_204 = arith.addi %mul3A_2, %add3A_203 : i32
    %dma_start3A_205 = arith.constant 0 : i32
    %dma_start3A_206 = arith.constant 0 : i32
    %dma_start3A_207 = arith.constant 0 : i32
    %dma_start3A_208 = tpu.memref_slice %arg4[%add3A_204, %dma_start3A_205, %dma_start3A_206, %dma_start3A_207] : memref<4096x11x1x256xf32, #tpu.memory_space<hbm>> -> memref<8x11x1x256xf32, #tpu.memory_space<hbm>>
    %dma_start3A_209 = arith.constant 0 : i32
    %dma_start3A_210 = arith.constant 0 : i32
    %dma_start3A_211 = arith.constant 0 : i32
    %dma_start3A_212 = tpu.memref_slice %arg4[%add3A_204, %dma_start3A_209, %dma_start3A_210, %dma_start3A_211] : memref<4096x11x1x256xf32, #tpu.memory_space<hbm>> -> memref<8x11x1x256xf32, #tpu.memory_space<hbm>>
    tpu.enqueue_dma source(%arg6 : memref<8x11x1x256xf32, #tpu.memory_space<vmem>>) target(%dma_start3A_212 : memref<8x11x1x256xf32, #tpu.memory_space<hbm>>) target_semaphore(%arg16 : memref<!tpu.dma_semaphore, #tpu.memory_space<semaphore_mem>>)
    %dma_wait3A_213 = arith.constant 0 : i32
    %dma_wait3A_214 = arith.constant 0 : i32
    %dma_wait3A_215 = arith.constant 0 : i32
    %dma_wait3A_216 = tpu.memref_slice %arg4[%add3A_204, %dma_wait3A_213, %dma_wait3A_214, %dma_wait3A_215] : memref<4096x11x1x256xf32, #tpu.memory_space<hbm>> -> memref<8x11x1x256xf32, #tpu.memory_space<hbm>>
    %dma_wait3A_217 = arith.constant 0 : i32
    %dma_wait3A_218 = arith.constant 0 : i32
    %dma_wait3A_219 = arith.constant 0 : i32
    %dma_wait3A_220 = tpu.memref_slice %arg4[%add3A_204, %dma_wait3A_217, %dma_wait3A_218, %dma_wait3A_219] : memref<4096x11x1x256xf32, #tpu.memory_space<hbm>> -> memref<8x11x1x256xf32, #tpu.memory_space<hbm>>
    tpu.wait_dma2 semaphore(%arg16 : memref<!tpu.dma_semaphore, #tpu.memory_space<semaphore_mem>>) src(%arg6 : memref<8x11x1x256xf32, #tpu.memory_space<vmem>>) dst(%dma_wait3A_220 : memref<8x11x1x256xf32, #tpu.memory_space<hbm>>)
    %dma_start3A_221 = arith.constant 80 : i32
    %dma_start3A_222 = tpu.memref_slice %arg5[%dma_start3A_221] : memref<128xi32, #tpu.memory_space<vmem>> -> memref<8xi32, #tpu.memory_space<vmem>>
    %dma_start3A_223 = arith.constant 0 : i32
    %dma_start3A_224 = arith.constant 0 : i32
    %dma_start3A_225 = arith.constant 0 : i32
    %dma_start3A_226 = arith.constant 0 : i32
    %dma_start3A_227 = tpu.memref_slice %arg2[%dma_start3A_223, %dma_start3A_224, %dma_start3A_225, %dma_start3A_226] : memref<12224x11x1x256xf32, #tpu.memory_space<hbm>> -> memref<12224x11x1x256xf32, #tpu.memory_space<hbm>>
    tpu.enqueue_indirect_dma source(%dma_start3A_227 : memref<12224x11x1x256xf32, #tpu.memory_space<hbm>>) target(%arg6 : memref<8x11x1x256xf32, #tpu.memory_space<vmem>>) offsets(%dma_start3A_222 : memref<8xi32, #tpu.memory_space<vmem>>) semaphore(%arg11 : memref<!tpu.dma_semaphore, #tpu.memory_space<semaphore_mem>>)
    %dma_wait3A_228 = arith.constant 48 : i32
    %dma_wait3A_229 = tpu.memref_slice %arg5[%dma_wait3A_228] : memref<128xi32, #tpu.memory_space<vmem>> -> memref<8xi32, #tpu.memory_space<vmem>>
    %dma_wait3A_230 = arith.constant 0 : i32
    %dma_wait3A_231 = arith.constant 0 : i32
    %dma_wait3A_232 = arith.constant 0 : i32
    %dma_wait3A_233 = arith.constant 0 : i32
    %dma_wait3A_234 = tpu.memref_slice %arg2[%dma_wait3A_230, %dma_wait3A_231, %dma_wait3A_232, %dma_wait3A_233] : memref<12224x11x1x256xf32, #tpu.memory_space<hbm>> -> memref<12224x11x1x256xf32, #tpu.memory_space<hbm>>
    tpu.wait_indirect_dma semaphore(%arg12 : memref<!tpu.dma_semaphore, #tpu.memory_space<semaphore_mem>>) src(%dma_wait3A_234 : memref<12224x11x1x256xf32, #tpu.memory_space<hbm>>) dst(%arg7 : memref<8x11x1x256xf32, #tpu.memory_space<vmem>>)
    %add3A_235 = arith.constant 48 : i32
    %add3A_236 = arith.addi %mul3A_2, %add3A_235 : i32
    %dma_start3A_237 = arith.constant 0 : i32
    %dma_start3A_238 = arith.constant 0 : i32
    %dma_start3A_239 = arith.constant 0 : i32
    %dma_start3A_240 = tpu.memref_slice %arg4[%add3A_236, %dma_start3A_237, %dma_start3A_238, %dma_start3A_239] : memref<4096x11x1x256xf32, #tpu.memory_space<hbm>> -> memref<8x11x1x256xf32, #tpu.memory_space<hbm>>
    %dma_start3A_241 = arith.constant 0 : i32
    %dma_start3A_242 = arith.constant 0 : i32
    %dma_start3A_243 = arith.constant 0 : i32
    %dma_start3A_244 = tpu.memref_slice %arg4[%add3A_236, %dma_start3A_241, %dma_start3A_242, %dma_start3A_243] : memref<4096x11x1x256xf32, #tpu.memory_space<hbm>> -> memref<8x11x1x256xf32, #tpu.memory_space<hbm>>
    tpu.enqueue_dma source(%arg7 : memref<8x11x1x256xf32, #tpu.memory_space<vmem>>) target(%dma_start3A_244 : memref<8x11x1x256xf32, #tpu.memory_space<hbm>>) target_semaphore(%arg17 : memref<!tpu.dma_semaphore, #tpu.memory_space<semaphore_mem>>)
    %dma_wait3A_245 = arith.constant 0 : i32
    %dma_wait3A_246 = arith.constant 0 : i32
    %dma_wait3A_247 = arith.constant 0 : i32
    %dma_wait3A_248 = tpu.memref_slice %arg4[%add3A_236, %dma_wait3A_245, %dma_wait3A_246, %dma_wait3A_247] : memref<4096x11x1x256xf32, #tpu.memory_space<hbm>> -> memref<8x11x1x256xf32, #tpu.memory_space<hbm>>
    %dma_wait3A_249 = arith.constant 0 : i32
    %dma_wait3A_250 = arith.constant 0 : i32
    %dma_wait3A_251 = arith.constant 0 : i32
    %dma_wait3A_252 = tpu.memref_slice %arg4[%add3A_236, %dma_wait3A_249, %dma_wait3A_250, %dma_wait3A_251] : memref<4096x11x1x256xf32, #tpu.memory_space<hbm>> -> memref<8x11x1x256xf32, #tpu.memory_space<hbm>>
    tpu.wait_dma2 semaphore(%arg17 : memref<!tpu.dma_semaphore, #tpu.memory_space<semaphore_mem>>) src(%arg7 : memref<8x11x1x256xf32, #tpu.memory_space<vmem>>) dst(%dma_wait3A_252 : memref<8x11x1x256xf32, #tpu.memory_space<hbm>>)
    %dma_start3A_253 = arith.constant 88 : i32
    %dma_start3A_254 = tpu.memref_slice %arg5[%dma_start3A_253] : memref<128xi32, #tpu.memory_space<vmem>> -> memref<8xi32, #tpu.memory_space<vmem>>
    %dma_start3A_255 = arith.constant 0 : i32
    %dma_start3A_256 = arith.constant 0 : i32
    %dma_start3A_257 = arith.constant 0 : i32
    %dma_start3A_258 = arith.constant 0 : i32
    %dma_start3A_259 = tpu.memref_slice %arg2[%dma_start3A_255, %dma_start3A_256, %dma_start3A_257, %dma_start3A_258] : memref<12224x11x1x256xf32, #tpu.memory_space<hbm>> -> memref<12224x11x1x256xf32, #tpu.memory_space<hbm>>
    tpu.enqueue_indirect_dma source(%dma_start3A_259 : memref<12224x11x1x256xf32, #tpu.memory_space<hbm>>) target(%arg7 : memref<8x11x1x256xf32, #tpu.memory_space<vmem>>) offsets(%dma_start3A_254 : memref<8xi32, #tpu.memory_space<vmem>>) semaphore(%arg12 : memref<!tpu.dma_semaphore, #tpu.memory_space<semaphore_mem>>)
    %dma_wait3A_260 = arith.constant 56 : i32
    %dma_wait3A_261 = tpu.memref_slice %arg5[%dma_wait3A_260] : memref<128xi32, #tpu.memory_space<vmem>> -> memref<8xi32, #tpu.memory_space<vmem>>
    %dma_wait3A_262 = arith.constant 0 : i32
    %dma_wait3A_263 = arith.constant 0 : i32
    %dma_wait3A_264 = arith.constant 0 : i32
    %dma_wait3A_265 = arith.constant 0 : i32
    %dma_wait3A_266 = tpu.memref_slice %arg2[%dma_wait3A_262, %dma_wait3A_263, %dma_wait3A_264, %dma_wait3A_265] : memref<12224x11x1x256xf32, #tpu.memory_space<hbm>> -> memref<12224x11x1x256xf32, #tpu.memory_space<hbm>>
    tpu.wait_indirect_dma semaphore(%arg13 : memref<!tpu.dma_semaphore, #tpu.memory_space<semaphore_mem>>) src(%dma_wait3A_266 : memref<12224x11x1x256xf32, #tpu.memory_space<hbm>>) dst(%arg8 : memref<8x11x1x256xf32, #tpu.memory_space<vmem>>)
    %add3A_267 = arith.constant 56 : i32
    %add3A_268 = arith.addi %mul3A_2, %add3A_267 : i32
    %dma_start3A_269 = arith.constant 0 : i32
    %dma_start3A_270 = arith.constant 0 : i32
    %dma_start3A_271 = arith.constant 0 : i32
    %dma_start3A_272 = tpu.memref_slice %arg4[%add3A_268, %dma_start3A_269, %dma_start3A_270, %dma_start3A_271] : memref<4096x11x1x256xf32, #tpu.memory_space<hbm>> -> memref<8x11x1x256xf32, #tpu.memory_space<hbm>>
    %dma_start3A_273 = arith.constant 0 : i32
    %dma_start3A_274 = arith.constant 0 : i32
    %dma_start3A_275 = arith.constant 0 : i32
    %dma_start3A_276 = tpu.memref_slice %arg4[%add3A_268, %dma_start3A_273, %dma_start3A_274, %dma_start3A_275] : memref<4096x11x1x256xf32, #tpu.memory_space<hbm>> -> memref<8x11x1x256xf32, #tpu.memory_space<hbm>>
    tpu.enqueue_dma source(%arg8 : memref<8x11x1x256xf32, #tpu.memory_space<vmem>>) target(%dma_start3A_276 : memref<8x11x1x256xf32, #tpu.memory_space<hbm>>) target_semaphore(%arg18 : memref<!tpu.dma_semaphore, #tpu.memory_space<semaphore_mem>>)
    %dma_wait3A_277 = arith.constant 0 : i32
    %dma_wait3A_278 = arith.constant 0 : i32
    %dma_wait3A_279 = arith.constant 0 : i32
    %dma_wait3A_280 = tpu.memref_slice %arg4[%add3A_268, %dma_wait3A_277, %dma_wait3A_278, %dma_wait3A_279] : memref<4096x11x1x256xf32, #tpu.memory_space<hbm>> -> memref<8x11x1x256xf32, #tpu.memory_space<hbm>>
    %dma_wait3A_281 = arith.constant 0 : i32
    %dma_wait3A_282 = arith.constant 0 : i32
    %dma_wait3A_283 = arith.constant 0 : i32
    %dma_wait3A_284 = tpu.memref_slice %arg4[%add3A_268, %dma_wait3A_281, %dma_wait3A_282, %dma_wait3A_283] : memref<4096x11x1x256xf32, #tpu.memory_space<hbm>> -> memref<8x11x1x256xf32, #tpu.memory_space<hbm>>
    tpu.wait_dma2 semaphore(%arg18 : memref<!tpu.dma_semaphore, #tpu.memory_space<semaphore_mem>>) src(%arg8 : memref<8x11x1x256xf32, #tpu.memory_space<vmem>>) dst(%dma_wait3A_284 : memref<8x11x1x256xf32, #tpu.memory_space<hbm>>)
    %dma_start3A_285 = arith.constant 96 : i32
    %dma_start3A_286 = tpu.memref_slice %arg5[%dma_start3A_285] : memref<128xi32, #tpu.memory_space<vmem>> -> memref<8xi32, #tpu.memory_space<vmem>>
    %dma_start3A_287 = arith.constant 0 : i32
    %dma_start3A_288 = arith.constant 0 : i32
    %dma_start3A_289 = arith.constant 0 : i32
    %dma_start3A_290 = arith.constant 0 : i32
    %dma_start3A_291 = tpu.memref_slice %arg2[%dma_start3A_287, %dma_start3A_288, %dma_start3A_289, %dma_start3A_290] : memref<12224x11x1x256xf32, #tpu.memory_space<hbm>> -> memref<12224x11x1x256xf32, #tpu.memory_space<hbm>>
    tpu.enqueue_indirect_dma source(%dma_start3A_291 : memref<12224x11x1x256xf32, #tpu.memory_space<hbm>>) target(%arg8 : memref<8x11x1x256xf32, #tpu.memory_space<vmem>>) offsets(%dma_start3A_286 : memref<8xi32, #tpu.memory_space<vmem>>) semaphore(%arg13 : memref<!tpu.dma_semaphore, #tpu.memory_space<semaphore_mem>>)
    %dma_wait3A_292 = arith.constant 64 : i32
    %dma_wait3A_293 = tpu.memref_slice %arg5[%dma_wait3A_292] : memref<128xi32, #tpu.memory_space<vmem>> -> memref<8xi32, #tpu.memory_space<vmem>>
    %dma_wait3A_294 = arith.constant 0 : i32
    %dma_wait3A_295 = arith.constant 0 : i32
    %dma_wait3A_296 = arith.constant 0 : i32
    %dma_wait3A_297 = arith.constant 0 : i32
    %dma_wait3A_298 = tpu.memref_slice %arg2[%dma_wait3A_294, %dma_wait3A_295, %dma_wait3A_296, %dma_wait3A_297] : memref<12224x11x1x256xf32, #tpu.memory_space<hbm>> -> memref<12224x11x1x256xf32, #tpu.memory_space<hbm>>
    tpu.wait_indirect_dma semaphore(%arg14 : memref<!tpu.dma_semaphore, #tpu.memory_space<semaphore_mem>>) src(%dma_wait3A_298 : memref<12224x11x1x256xf32, #tpu.memory_space<hbm>>) dst(%arg9 : memref<8x11x1x256xf32, #tpu.memory_space<vmem>>)
    %add3A_299 = arith.constant 64 : i32
    %add3A_300 = arith.addi %mul3A_2, %add3A_299 : i32
    %dma_start3A_301 = arith.constant 0 : i32
    %dma_start3A_302 = arith.constant 0 : i32
    %dma_start3A_303 = arith.constant 0 : i32
    %dma_start3A_304 = tpu.memref_slice %arg4[%add3A_300, %dma_start3A_301, %dma_start3A_302, %dma_start3A_303] : memref<4096x11x1x256xf32, #tpu.memory_space<hbm>> -> memref<8x11x1x256xf32, #tpu.memory_space<hbm>>
    %dma_start3A_305 = arith.constant 0 : i32
    %dma_start3A_306 = arith.constant 0 : i32
    %dma_start3A_307 = arith.constant 0 : i32
    %dma_start3A_308 = tpu.memref_slice %arg4[%add3A_300, %dma_start3A_305, %dma_start3A_306, %dma_start3A_307] : memref<4096x11x1x256xf32, #tpu.memory_space<hbm>> -> memref<8x11x1x256xf32, #tpu.memory_space<hbm>>
    tpu.enqueue_dma source(%arg9 : memref<8x11x1x256xf32, #tpu.memory_space<vmem>>) target(%dma_start3A_308 : memref<8x11x1x256xf32, #tpu.memory_space<hbm>>) target_semaphore(%arg19 : memref<!tpu.dma_semaphore, #tpu.memory_space<semaphore_mem>>)
    %dma_wait3A_309 = arith.constant 0 : i32
    %dma_wait3A_310 = arith.constant 0 : i32
    %dma_wait3A_311 = arith.constant 0 : i32
    %dma_wait3A_312 = tpu.memref_slice %arg4[%add3A_300, %dma_wait3A_309, %dma_wait3A_310, %dma_wait3A_311] : memref<4096x11x1x256xf32, #tpu.memory_space<hbm>> -> memref<8x11x1x256xf32, #tpu.memory_space<hbm>>
    %dma_wait3A_313 = arith.constant 0 : i32
    %dma_wait3A_314 = arith.constant 0 : i32
    %dma_wait3A_315 = arith.constant 0 : i32
    %dma_wait3A_316 = tpu.memref_slice %arg4[%add3A_300, %dma_wait3A_313, %dma_wait3A_314, %dma_wait3A_315] : memref<4096x11x1x256xf32, #tpu.memory_space<hbm>> -> memref<8x11x1x256xf32, #tpu.memory_space<hbm>>
    tpu.wait_dma2 semaphore(%arg19 : memref<!tpu.dma_semaphore, #tpu.memory_space<semaphore_mem>>) src(%arg9 : memref<8x11x1x256xf32, #tpu.memory_space<vmem>>) dst(%dma_wait3A_316 : memref<8x11x1x256xf32, #tpu.memory_space<hbm>>)
    %dma_start3A_317 = arith.constant 104 : i32
    %dma_start3A_318 = tpu.memref_slice %arg5[%dma_start3A_317] : memref<128xi32, #tpu.memory_space<vmem>> -> memref<8xi32, #tpu.memory_space<vmem>>
    %dma_start3A_319 = arith.constant 0 : i32
    %dma_start3A_320 = arith.constant 0 : i32
    %dma_start3A_321 = arith.constant 0 : i32
    %dma_start3A_322 = arith.constant 0 : i32
    %dma_start3A_323 = tpu.memref_slice %arg2[%dma_start3A_319, %dma_start3A_320, %dma_start3A_321, %dma_start3A_322] : memref<12224x11x1x256xf32, #tpu.memory_space<hbm>> -> memref<12224x11x1x256xf32, #tpu.memory_space<hbm>>
    tpu.enqueue_indirect_dma source(%dma_start3A_323 : memref<12224x11x1x256xf32, #tpu.memory_space<hbm>>) target(%arg9 : memref<8x11x1x256xf32, #tpu.memory_space<vmem>>) offsets(%dma_start3A_318 : memref<8xi32, #tpu.memory_space<vmem>>) semaphore(%arg14 : memref<!tpu.dma_semaphore, #tpu.memory_space<semaphore_mem>>)
    %dma_wait3A_324 = arith.constant 72 : i32
    %dma_wait3A_325 = tpu.memref_slice %arg5[%dma_wait3A_324] : memref<128xi32, #tpu.memory_space<vmem>> -> memref<8xi32, #tpu.memory_space<vmem>>
    %dma_wait3A_326 = arith.constant 0 : i32
    %dma_wait3A_327 = arith.constant 0 : i32
    %dma_wait3A_328 = arith.constant 0 : i32
    %dma_wait3A_329 = arith.constant 0 : i32
    %dma_wait3A_330 = tpu.memref_slice %arg2[%dma_wait3A_326, %dma_wait3A_327, %dma_wait3A_328, %dma_wait3A_329] : memref<12224x11x1x256xf32, #tpu.memory_space<hbm>> -> memref<12224x11x1x256xf32, #tpu.memory_space<hbm>>
    tpu.wait_indirect_dma semaphore(%arg15 : memref<!tpu.dma_semaphore, #tpu.memory_space<semaphore_mem>>) src(%dma_wait3A_330 : memref<12224x11x1x256xf32, #tpu.memory_space<hbm>>) dst(%arg10 : memref<8x11x1x256xf32, #tpu.memory_space<vmem>>)
    %add3A_331 = arith.constant 72 : i32
    %add3A_332 = arith.addi %mul3A_2, %add3A_331 : i32
    %dma_start3A_333 = arith.constant 0 : i32
    %dma_start3A_334 = arith.constant 0 : i32
    %dma_start3A_335 = arith.constant 0 : i32
    %dma_start3A_336 = tpu.memref_slice %arg4[%add3A_332, %dma_start3A_333, %dma_start3A_334, %dma_start3A_335] : memref<4096x11x1x256xf32, #tpu.memory_space<hbm>> -> memref<8x11x1x256xf32, #tpu.memory_space<hbm>>
    %dma_start3A_337 = arith.constant 0 : i32
    %dma_start3A_338 = arith.constant 0 : i32
    %dma_start3A_339 = arith.constant 0 : i32
    %dma_start3A_340 = tpu.memref_slice %arg4[%add3A_332, %dma_start3A_337, %dma_start3A_338, %dma_start3A_339] : memref<4096x11x1x256xf32, #tpu.memory_space<hbm>> -> memref<8x11x1x256xf32, #tpu.memory_space<hbm>>
    tpu.enqueue_dma source(%arg10 : memref<8x11x1x256xf32, #tpu.memory_space<vmem>>) target(%dma_start3A_340 : memref<8x11x1x256xf32, #tpu.memory_space<hbm>>) target_semaphore(%arg20 : memref<!tpu.dma_semaphore, #tpu.memory_space<semaphore_mem>>)
    %dma_wait3A_341 = arith.constant 0 : i32
    %dma_wait3A_342 = arith.constant 0 : i32
    %dma_wait3A_343 = arith.constant 0 : i32
    %dma_wait3A_344 = tpu.memref_slice %arg4[%add3A_332, %dma_wait3A_341, %dma_wait3A_342, %dma_wait3A_343] : memref<4096x11x1x256xf32, #tpu.memory_space<hbm>> -> memref<8x11x1x256xf32, #tpu.memory_space<hbm>>
    %dma_wait3A_345 = arith.constant 0 : i32
    %dma_wait3A_346 = arith.constant 0 : i32
    %dma_wait3A_347 = arith.constant 0 : i32
    %dma_wait3A_348 = tpu.memref_slice %arg4[%add3A_332, %dma_wait3A_345, %dma_wait3A_346, %dma_wait3A_347] : memref<4096x11x1x256xf32, #tpu.memory_space<hbm>> -> memref<8x11x1x256xf32, #tpu.memory_space<hbm>>
    tpu.wait_dma2 semaphore(%arg20 : memref<!tpu.dma_semaphore, #tpu.memory_space<semaphore_mem>>) src(%arg10 : memref<8x11x1x256xf32, #tpu.memory_space<vmem>>) dst(%dma_wait3A_348 : memref<8x11x1x256xf32, #tpu.memory_space<hbm>>)
    %dma_start3A_349 = arith.constant 112 : i32
    %dma_start3A_350 = tpu.memref_slice %arg5[%dma_start3A_349] : memref<128xi32, #tpu.memory_space<vmem>> -> memref<8xi32, #tpu.memory_space<vmem>>
    %dma_start3A_351 = arith.constant 0 : i32
    %dma_start3A_352 = arith.constant 0 : i32
    %dma_start3A_353 = arith.constant 0 : i32
    %dma_start3A_354 = arith.constant 0 : i32
    %dma_start3A_355 = tpu.memref_slice %arg2[%dma_start3A_351, %dma_start3A_352, %dma_start3A_353, %dma_start3A_354] : memref<12224x11x1x256xf32, #tpu.memory_space<hbm>> -> memref<12224x11x1x256xf32, #tpu.memory_space<hbm>>
    tpu.enqueue_indirect_dma source(%dma_start3A_355 : memref<12224x11x1x256xf32, #tpu.memory_space<hbm>>) target(%arg10 : memref<8x11x1x256xf32, #tpu.memory_space<vmem>>) offsets(%dma_start3A_350 : memref<8xi32, #tpu.memory_space<vmem>>) semaphore(%arg15 : memref<!tpu.dma_semaphore, #tpu.memory_space<semaphore_mem>>)
    %dma_wait3A_356 = arith.constant 80 : i32
    %dma_wait3A_357 = tpu.memref_slice %arg5[%dma_wait3A_356] : memref<128xi32, #tpu.memory_space<vmem>> -> memref<8xi32, #tpu.memory_space<vmem>>
    %dma_wait3A_358 = arith.constant 0 : i32
    %dma_wait3A_359 = arith.constant 0 : i32
    %dma_wait3A_360 = arith.constant 0 : i32
    %dma_wait3A_361 = arith.constant 0 : i32
    %dma_wait3A_362 = tpu.memref_slice %arg2[%dma_wait3A_358, %dma_wait3A_359, %dma_wait3A_360, %dma_wait3A_361] : memref<12224x11x1x256xf32, #tpu.memory_space<hbm>> -> memref<12224x11x1x256xf32, #tpu.memory_space<hbm>>
    tpu.wait_indirect_dma semaphore(%arg11 : memref<!tpu.dma_semaphore, #tpu.memory_space<semaphore_mem>>) src(%dma_wait3A_362 : memref<12224x11x1x256xf32, #tpu.memory_space<hbm>>) dst(%arg6 : memref<8x11x1x256xf32, #tpu.memory_space<vmem>>)
    %add3A_363 = arith.constant 80 : i32
    %add3A_364 = arith.addi %mul3A_2, %add3A_363 : i32
    %dma_start3A_365 = arith.constant 0 : i32
    %dma_start3A_366 = arith.constant 0 : i32
    %dma_start3A_367 = arith.constant 0 : i32
    %dma_start3A_368 = tpu.memref_slice %arg4[%add3A_364, %dma_start3A_365, %dma_start3A_366, %dma_start3A_367] : memref<4096x11x1x256xf32, #tpu.memory_space<hbm>> -> memref<8x11x1x256xf32, #tpu.memory_space<hbm>>
    %dma_start3A_369 = arith.constant 0 : i32
    %dma_start3A_370 = arith.constant 0 : i32
    %dma_start3A_371 = arith.constant 0 : i32
    %dma_start3A_372 = tpu.memref_slice %arg4[%add3A_364, %dma_start3A_369, %dma_start3A_370, %dma_start3A_371] : memref<4096x11x1x256xf32, #tpu.memory_space<hbm>> -> memref<8x11x1x256xf32, #tpu.memory_space<hbm>>
    tpu.enqueue_dma source(%arg6 : memref<8x11x1x256xf32, #tpu.memory_space<vmem>>) target(%dma_start3A_372 : memref<8x11x1x256xf32, #tpu.memory_space<hbm>>) target_semaphore(%arg16 : memref<!tpu.dma_semaphore, #tpu.memory_space<semaphore_mem>>)
    %dma_wait3A_373 = arith.constant 0 : i32
    %dma_wait3A_374 = arith.constant 0 : i32
    %dma_wait3A_375 = arith.constant 0 : i32
    %dma_wait3A_376 = tpu.memref_slice %arg4[%add3A_364, %dma_wait3A_373, %dma_wait3A_374, %dma_wait3A_375] : memref<4096x11x1x256xf32, #tpu.memory_space<hbm>> -> memref<8x11x1x256xf32, #tpu.memory_space<hbm>>
    %dma_wait3A_377 = arith.constant 0 : i32
    %dma_wait3A_378 = arith.constant 0 : i32
    %dma_wait3A_379 = arith.constant 0 : i32
    %dma_wait3A_380 = tpu.memref_slice %arg4[%add3A_364, %dma_wait3A_377, %dma_wait3A_378, %dma_wait3A_379] : memref<4096x11x1x256xf32, #tpu.memory_space<hbm>> -> memref<8x11x1x256xf32, #tpu.memory_space<hbm>>
    tpu.wait_dma2 semaphore(%arg16 : memref<!tpu.dma_semaphore, #tpu.memory_space<semaphore_mem>>) src(%arg6 : memref<8x11x1x256xf32, #tpu.memory_space<vmem>>) dst(%dma_wait3A_380 : memref<8x11x1x256xf32, #tpu.memory_space<hbm>>)
    %dma_start3A_381 = arith.constant 120 : i32
    %dma_start3A_382 = tpu.memref_slice %arg5[%dma_start3A_381] : memref<128xi32, #tpu.memory_space<vmem>> -> memref<8xi32, #tpu.memory_space<vmem>>
    %dma_start3A_383 = arith.constant 0 : i32
    %dma_start3A_384 = arith.constant 0 : i32
    %dma_start3A_385 = arith.constant 0 : i32
    %dma_start3A_386 = arith.constant 0 : i32
    %dma_start3A_387 = tpu.memref_slice %arg2[%dma_start3A_383, %dma_start3A_384, %dma_start3A_385, %dma_start3A_386] : memref<12224x11x1x256xf32, #tpu.memory_space<hbm>> -> memref<12224x11x1x256xf32, #tpu.memory_space<hbm>>
    tpu.enqueue_indirect_dma source(%dma_start3A_387 : memref<12224x11x1x256xf32, #tpu.memory_space<hbm>>) target(%arg6 : memref<8x11x1x256xf32, #tpu.memory_space<vmem>>) offsets(%dma_start3A_382 : memref<8xi32, #tpu.memory_space<vmem>>) semaphore(%arg11 : memref<!tpu.dma_semaphore, #tpu.memory_space<semaphore_mem>>)
    %dma_wait3A_388 = arith.constant 88 : i32
    %dma_wait3A_389 = tpu.memref_slice %arg5[%dma_wait3A_388] : memref<128xi32, #tpu.memory_space<vmem>> -> memref<8xi32, #tpu.memory_space<vmem>>
    %dma_wait3A_390 = arith.constant 0 : i32
    %dma_wait3A_391 = arith.constant 0 : i32
    %dma_wait3A_392 = arith.constant 0 : i32
    %dma_wait3A_393 = arith.constant 0 : i32
    %dma_wait3A_394 = tpu.memref_slice %arg2[%dma_wait3A_390, %dma_wait3A_391, %dma_wait3A_392, %dma_wait3A_393] : memref<12224x11x1x256xf32, #tpu.memory_space<hbm>> -> memref<12224x11x1x256xf32, #tpu.memory_space<hbm>>
    tpu.wait_indirect_dma semaphore(%arg12 : memref<!tpu.dma_semaphore, #tpu.memory_space<semaphore_mem>>) src(%dma_wait3A_394 : memref<12224x11x1x256xf32, #tpu.memory_space<hbm>>) dst(%arg7 : memref<8x11x1x256xf32, #tpu.memory_space<vmem>>)
    %add3A_395 = arith.constant 88 : i32
    %add3A_396 = arith.addi %mul3A_2, %add3A_395 : i32
    %dma_start3A_397 = arith.constant 0 : i32
    %dma_start3A_398 = arith.constant 0 : i32
    %dma_start3A_399 = arith.constant 0 : i32
    %dma_start3A_400 = tpu.memref_slice %arg4[%add3A_396, %dma_start3A_397, %dma_start3A_398, %dma_start3A_399] : memref<4096x11x1x256xf32, #tpu.memory_space<hbm>> -> memref<8x11x1x256xf32, #tpu.memory_space<hbm>>
    %dma_start3A_401 = arith.constant 0 : i32
    %dma_start3A_402 = arith.constant 0 : i32
    %dma_start3A_403 = arith.constant 0 : i32
    %dma_start3A_404 = tpu.memref_slice %arg4[%add3A_396, %dma_start3A_401, %dma_start3A_402, %dma_start3A_403] : memref<4096x11x1x256xf32, #tpu.memory_space<hbm>> -> memref<8x11x1x256xf32, #tpu.memory_space<hbm>>
    tpu.enqueue_dma source(%arg7 : memref<8x11x1x256xf32, #tpu.memory_space<vmem>>) target(%dma_start3A_404 : memref<8x11x1x256xf32, #tpu.memory_space<hbm>>) target_semaphore(%arg17 : memref<!tpu.dma_semaphore, #tpu.memory_space<semaphore_mem>>)
    %dma_wait3A_405 = arith.constant 96 : i32
    %dma_wait3A_406 = tpu.memref_slice %arg5[%dma_wait3A_405] : memref<128xi32, #tpu.memory_space<vmem>> -> memref<8xi32, #tpu.memory_space<vmem>>
    %dma_wait3A_407 = arith.constant 0 : i32
    %dma_wait3A_408 = arith.constant 0 : i32
    %dma_wait3A_409 = arith.constant 0 : i32
    %dma_wait3A_410 = arith.constant 0 : i32
    %dma_wait3A_411 = tpu.memref_slice %arg2[%dma_wait3A_407, %dma_wait3A_408, %dma_wait3A_409, %dma_wait3A_410] : memref<12224x11x1x256xf32, #tpu.memory_space<hbm>> -> memref<12224x11x1x256xf32, #tpu.memory_space<hbm>>
    tpu.wait_indirect_dma semaphore(%arg13 : memref<!tpu.dma_semaphore, #tpu.memory_space<semaphore_mem>>) src(%dma_wait3A_411 : memref<12224x11x1x256xf32, #tpu.memory_space<hbm>>) dst(%arg8 : memref<8x11x1x256xf32, #tpu.memory_space<vmem>>)
    %add3A_412 = arith.constant 96 : i32
    %add3A_413 = arith.addi %mul3A_2, %add3A_412 : i32
    %dma_start3A_414 = arith.constant 0 : i32
    %dma_start3A_415 = arith.constant 0 : i32
    %dma_start3A_416 = arith.constant 0 : i32
    %dma_start3A_417 = tpu.memref_slice %arg4[%add3A_413, %dma_start3A_414, %dma_start3A_415, %dma_start3A_416] : memref<4096x11x1x256xf32, #tpu.memory_space<hbm>> -> memref<8x11x1x256xf32, #tpu.memory_space<hbm>>
    %dma_start3A_418 = arith.constant 0 : i32
    %dma_start3A_419 = arith.constant 0 : i32
    %dma_start3A_420 = arith.constant 0 : i32
    %dma_start3A_421 = tpu.memref_slice %arg4[%add3A_413, %dma_start3A_418, %dma_start3A_419, %dma_start3A_420] : memref<4096x11x1x256xf32, #tpu.memory_space<hbm>> -> memref<8x11x1x256xf32, #tpu.memory_space<hbm>>
    tpu.enqueue_dma source(%arg8 : memref<8x11x1x256xf32, #tpu.memory_space<vmem>>) target(%dma_start3A_421 : memref<8x11x1x256xf32, #tpu.memory_space<hbm>>) target_semaphore(%arg18 : memref<!tpu.dma_semaphore, #tpu.memory_space<semaphore_mem>>)
    %dma_wait3A_422 = arith.constant 104 : i32
    %dma_wait3A_423 = tpu.memref_slice %arg5[%dma_wait3A_422] : memref<128xi32, #tpu.memory_space<vmem>> -> memref<8xi32, #tpu.memory_space<vmem>>
    %dma_wait3A_424 = arith.constant 0 : i32
    %dma_wait3A_425 = arith.constant 0 : i32
    %dma_wait3A_426 = arith.constant 0 : i32
    %dma_wait3A_427 = arith.constant 0 : i32
    %dma_wait3A_428 = tpu.memref_slice %arg2[%dma_wait3A_424, %dma_wait3A_425, %dma_wait3A_426, %dma_wait3A_427] : memref<12224x11x1x256xf32, #tpu.memory_space<hbm>> -> memref<12224x11x1x256xf32, #tpu.memory_space<hbm>>
    tpu.wait_indirect_dma semaphore(%arg14 : memref<!tpu.dma_semaphore, #tpu.memory_space<semaphore_mem>>) src(%dma_wait3A_428 : memref<12224x11x1x256xf32, #tpu.memory_space<hbm>>) dst(%arg9 : memref<8x11x1x256xf32, #tpu.memory_space<vmem>>)
    %add3A_429 = arith.constant 104 : i32
    %add3A_430 = arith.addi %mul3A_2, %add3A_429 : i32
    %dma_start3A_431 = arith.constant 0 : i32
    %dma_start3A_432 = arith.constant 0 : i32
    %dma_start3A_433 = arith.constant 0 : i32
    %dma_start3A_434 = tpu.memref_slice %arg4[%add3A_430, %dma_start3A_431, %dma_start3A_432, %dma_start3A_433] : memref<4096x11x1x256xf32, #tpu.memory_space<hbm>> -> memref<8x11x1x256xf32, #tpu.memory_space<hbm>>
    %dma_start3A_435 = arith.constant 0 : i32
    %dma_start3A_436 = arith.constant 0 : i32
    %dma_start3A_437 = arith.constant 0 : i32
    %dma_start3A_438 = tpu.memref_slice %arg4[%add3A_430, %dma_start3A_435, %dma_start3A_436, %dma_start3A_437] : memref<4096x11x1x256xf32, #tpu.memory_space<hbm>> -> memref<8x11x1x256xf32, #tpu.memory_space<hbm>>
    tpu.enqueue_dma source(%arg9 : memref<8x11x1x256xf32, #tpu.memory_space<vmem>>) target(%dma_start3A_438 : memref<8x11x1x256xf32, #tpu.memory_space<hbm>>) target_semaphore(%arg19 : memref<!tpu.dma_semaphore, #tpu.memory_space<semaphore_mem>>)
    %dma_wait3A_439 = arith.constant 112 : i32
    %dma_wait3A_440 = tpu.memref_slice %arg5[%dma_wait3A_439] : memref<128xi32, #tpu.memory_space<vmem>> -> memref<8xi32, #tpu.memory_space<vmem>>
    %dma_wait3A_441 = arith.constant 0 : i32
    %dma_wait3A_442 = arith.constant 0 : i32
    %dma_wait3A_443 = arith.constant 0 : i32
    %dma_wait3A_444 = arith.constant 0 : i32
    %dma_wait3A_445 = tpu.memref_slice %arg2[%dma_wait3A_441, %dma_wait3A_442, %dma_wait3A_443, %dma_wait3A_444] : memref<12224x11x1x256xf32, #tpu.memory_space<hbm>> -> memref<12224x11x1x256xf32, #tpu.memory_space<hbm>>
    tpu.wait_indirect_dma semaphore(%arg15 : memref<!tpu.dma_semaphore, #tpu.memory_space<semaphore_mem>>) src(%dma_wait3A_445 : memref<12224x11x1x256xf32, #tpu.memory_space<hbm>>) dst(%arg10 : memref<8x11x1x256xf32, #tpu.memory_space<vmem>>)
    %add3A_446 = arith.constant 112 : i32
    %add3A_447 = arith.addi %mul3A_2, %add3A_446 : i32
    %dma_start3A_448 = arith.constant 0 : i32
    %dma_start3A_449 = arith.constant 0 : i32
    %dma_start3A_450 = arith.constant 0 : i32
    %dma_start3A_451 = tpu.memref_slice %arg4[%add3A_447, %dma_start3A_448, %dma_start3A_449, %dma_start3A_450] : memref<4096x11x1x256xf32, #tpu.memory_space<hbm>> -> memref<8x11x1x256xf32, #tpu.memory_space<hbm>>
    %dma_start3A_452 = arith.constant 0 : i32
    %dma_start3A_453 = arith.constant 0 : i32
    %dma_start3A_454 = arith.constant 0 : i32
    %dma_start3A_455 = tpu.memref_slice %arg4[%add3A_447, %dma_start3A_452, %dma_start3A_453, %dma_start3A_454] : memref<4096x11x1x256xf32, #tpu.memory_space<hbm>> -> memref<8x11x1x256xf32, #tpu.memory_space<hbm>>
    tpu.enqueue_dma source(%arg10 : memref<8x11x1x256xf32, #tpu.memory_space<vmem>>) target(%dma_start3A_455 : memref<8x11x1x256xf32, #tpu.memory_space<hbm>>) target_semaphore(%arg20 : memref<!tpu.dma_semaphore, #tpu.memory_space<semaphore_mem>>)
    %dma_wait3A_456 = arith.constant 120 : i32
    %dma_wait3A_457 = tpu.memref_slice %arg5[%dma_wait3A_456] : memref<128xi32, #tpu.memory_space<vmem>> -> memref<8xi32, #tpu.memory_space<vmem>>
    %dma_wait3A_458 = arith.constant 0 : i32
    %dma_wait3A_459 = arith.constant 0 : i32
    %dma_wait3A_460 = arith.constant 0 : i32
    %dma_wait3A_461 = arith.constant 0 : i32
    %dma_wait3A_462 = tpu.memref_slice %arg2[%dma_wait3A_458, %dma_wait3A_459, %dma_wait3A_460, %dma_wait3A_461] : memref<12224x11x1x256xf32, #tpu.memory_space<hbm>> -> memref<12224x11x1x256xf32, #tpu.memory_space<hbm>>
    tpu.wait_indirect_dma semaphore(%arg11 : memref<!tpu.dma_semaphore, #tpu.memory_space<semaphore_mem>>) src(%dma_wait3A_462 : memref<12224x11x1x256xf32, #tpu.memory_space<hbm>>) dst(%arg6 : memref<8x11x1x256xf32, #tpu.memory_space<vmem>>)
    %add3A_463 = arith.constant 120 : i32
    %add3A_464 = arith.addi %mul3A_2, %add3A_463 : i32
    %dma_start3A_465 = arith.constant 0 : i32
    %dma_start3A_466 = arith.constant 0 : i32
    %dma_start3A_467 = arith.constant 0 : i32
    %dma_start3A_468 = tpu.memref_slice %arg4[%add3A_464, %dma_start3A_465, %dma_start3A_466, %dma_start3A_467] : memref<4096x11x1x256xf32, #tpu.memory_space<hbm>> -> memref<8x11x1x256xf32, #tpu.memory_space<hbm>>
    %dma_start3A_469 = arith.constant 0 : i32
    %dma_start3A_470 = arith.constant 0 : i32
    %dma_start3A_471 = arith.constant 0 : i32
    %dma_start3A_472 = tpu.memref_slice %arg4[%add3A_464, %dma_start3A_469, %dma_start3A_470, %dma_start3A_471] : memref<4096x11x1x256xf32, #tpu.memory_space<hbm>> -> memref<8x11x1x256xf32, #tpu.memory_space<hbm>>
    tpu.enqueue_dma source(%arg6 : memref<8x11x1x256xf32, #tpu.memory_space<vmem>>) target(%dma_start3A_472 : memref<8x11x1x256xf32, #tpu.memory_space<hbm>>) target_semaphore(%arg16 : memref<!tpu.dma_semaphore, #tpu.memory_space<semaphore_mem>>)
    %dma_wait3A_473 = arith.constant 0 : i32
    %dma_wait3A_474 = arith.constant 0 : i32
    %dma_wait3A_475 = arith.constant 0 : i32
    %dma_wait3A_476 = tpu.memref_slice %arg4[%add3A_396, %dma_wait3A_473, %dma_wait3A_474, %dma_wait3A_475] : memref<4096x11x1x256xf32, #tpu.memory_space<hbm>> -> memref<8x11x1x256xf32, #tpu.memory_space<hbm>>
    %dma_wait3A_477 = arith.constant 0 : i32
    %dma_wait3A_478 = arith.constant 0 : i32
    %dma_wait3A_479 = arith.constant 0 : i32
    %dma_wait3A_480 = tpu.memref_slice %arg4[%add3A_396, %dma_wait3A_477, %dma_wait3A_478, %dma_wait3A_479] : memref<4096x11x1x256xf32, #tpu.memory_space<hbm>> -> memref<8x11x1x256xf32, #tpu.memory_space<hbm>>
    tpu.wait_dma2 semaphore(%arg17 : memref<!tpu.dma_semaphore, #tpu.memory_space<semaphore_mem>>) src(%arg7 : memref<8x11x1x256xf32, #tpu.memory_space<vmem>>) dst(%dma_wait3A_480 : memref<8x11x1x256xf32, #tpu.memory_space<hbm>>)
    %dma_wait3A_481 = arith.constant 0 : i32
    %dma_wait3A_482 = arith.constant 0 : i32
    %dma_wait3A_483 = arith.constant 0 : i32
    %dma_wait3A_484 = tpu.memref_slice %arg4[%add3A_413, %dma_wait3A_481, %dma_wait3A_482, %dma_wait3A_483] : memref<4096x11x1x256xf32, #tpu.memory_space<hbm>> -> memref<8x11x1x256xf32, #tpu.memory_space<hbm>>
    %dma_wait3A_485 = arith.constant 0 : i32
    %dma_wait3A_486 = arith.constant 0 : i32
    %dma_wait3A_487 = arith.constant 0 : i32
    %dma_wait3A_488 = tpu.memref_slice %arg4[%add3A_413, %dma_wait3A_485, %dma_wait3A_486, %dma_wait3A_487] : memref<4096x11x1x256xf32, #tpu.memory_space<hbm>> -> memref<8x11x1x256xf32, #tpu.memory_space<hbm>>
    tpu.wait_dma2 semaphore(%arg18 : memref<!tpu.dma_semaphore, #tpu.memory_space<semaphore_mem>>) src(%arg8 : memref<8x11x1x256xf32, #tpu.memory_space<vmem>>) dst(%dma_wait3A_488 : memref<8x11x1x256xf32, #tpu.memory_space<hbm>>)
    %dma_wait3A_489 = arith.constant 0 : i32
    %dma_wait3A_490 = arith.constant 0 : i32
    %dma_wait3A_491 = arith.constant 0 : i32
    %dma_wait3A_492 = tpu.memref_slice %arg4[%add3A_430, %dma_wait3A_489, %dma_wait3A_490, %dma_wait3A_491] : memref<4096x11x1x256xf32, #tpu.memory_space<hbm>> -> memref<8x11x1x256xf32, #tpu.memory_space<hbm>>
    %dma_wait3A_493 = arith.constant 0 : i32
    %dma_wait3A_494 = arith.constant 0 : i32
    %dma_wait3A_495 = arith.constant 0 : i32
    %dma_wait3A_496 = tpu.memref_slice %arg4[%add3A_430, %dma_wait3A_493, %dma_wait3A_494, %dma_wait3A_495] : memref<4096x11x1x256xf32, #tpu.memory_space<hbm>> -> memref<8x11x1x256xf32, #tpu.memory_space<hbm>>
    tpu.wait_dma2 semaphore(%arg19 : memref<!tpu.dma_semaphore, #tpu.memory_space<semaphore_mem>>) src(%arg9 : memref<8x11x1x256xf32, #tpu.memory_space<vmem>>) dst(%dma_wait3A_496 : memref<8x11x1x256xf32, #tpu.memory_space<hbm>>)
    %dma_wait3A_497 = arith.constant 0 : i32
    %dma_wait3A_498 = arith.constant 0 : i32
    %dma_wait3A_499 = arith.constant 0 : i32
    %dma_wait3A_500 = tpu.memref_slice %arg4[%add3A_447, %dma_wait3A_497, %dma_wait3A_498, %dma_wait3A_499] : memref<4096x11x1x256xf32, #tpu.memory_space<hbm>> -> memref<8x11x1x256xf32, #tpu.memory_space<hbm>>
    %dma_wait3A_501 = arith.constant 0 : i32
    %dma_wait3A_502 = arith.constant 0 : i32
    %dma_wait3A_503 = arith.constant 0 : i32
    %dma_wait3A_504 = tpu.memref_slice %arg4[%add3A_447, %dma_wait3A_501, %dma_wait3A_502, %dma_wait3A_503] : memref<4096x11x1x256xf32, #tpu.memory_space<hbm>> -> memref<8x11x1x256xf32, #tpu.memory_space<hbm>>
    tpu.wait_dma2 semaphore(%arg20 : memref<!tpu.dma_semaphore, #tpu.memory_space<semaphore_mem>>) src(%arg10 : memref<8x11x1x256xf32, #tpu.memory_space<vmem>>) dst(%dma_wait3A_504 : memref<8x11x1x256xf32, #tpu.memory_space<hbm>>)
    %dma_wait3A_505 = arith.constant 0 : i32
    %dma_wait3A_506 = arith.constant 0 : i32
    %dma_wait3A_507 = arith.constant 0 : i32
    %dma_wait3A_508 = tpu.memref_slice %arg4[%add3A_464, %dma_wait3A_505, %dma_wait3A_506, %dma_wait3A_507] : memref<4096x11x1x256xf32, #tpu.memory_space<hbm>> -> memref<8x11x1x256xf32, #tpu.memory_space<hbm>>
    %dma_wait3A_509 = arith.constant 0 : i32
    %dma_wait3A_510 = arith.constant 0 : i32
    %dma_wait3A_511 = arith.constant 0 : i32
    %dma_wait3A_512 = tpu.memref_slice %arg4[%add3A_464, %dma_wait3A_509, %dma_wait3A_510, %dma_wait3A_511] : memref<4096x11x1x256xf32, #tpu.memory_space<hbm>> -> memref<8x11x1x256xf32, #tpu.memory_space<hbm>>
    tpu.wait_dma2 semaphore(%arg16 : memref<!tpu.dma_semaphore, #tpu.memory_space<semaphore_mem>>) src(%arg6 : memref<8x11x1x256xf32, #tpu.memory_space<vmem>>) dst(%dma_wait3A_512 : memref<8x11x1x256xf32, #tpu.memory_space<hbm>>)
    return
  }
}

</mosaic_0001>

<sc_bundles>
// kernel: kernel.3.cloned.1.call-start
scs
__scs_entry_jumppad:
0x0: {  	(pc) =	sbr.rel $0x88, $3  }
0x1: {  	(tag) =	ssettag $0x0;
	lr =	simm.s32 $0x1  }
0x2: {  	[smem:$0x3F9F] =	sst lr;
	_ =	strace $0xD0000000  }
0x3: {  	_ = 	snop  }
0x4: {  	_ = 	snop  }
0x5: {  	_ = 	snop  }
0x6: {  	_ = 	snop  }
0x7: {  	_ = 	snop  }
__scs_overlays_trampoline_lowered:
0x8: {  	[smem:$0x3FAE] =	sst s0  }
0x9: {  	[smem:$0x3FAF] =	sst s1  }
0xa: {  	[smem:$0x3FB0] =	sst s2  }
0xb: {  	[smem:$0x3FB1] =	sst s3  }
0xc: {  	[smem:$0x3FB2] =	sst s4  }
0xd: {  	[smem:$0x3FB3] =	sst s5  }
0xe: {  	[smem:$0x3FB4] =	sst s6  }
0xf: {  	[smem:$0x3FB5] =	sst s7  }
0x10: {  	[smem:$0x3FB6] =	sst s8  }
0x11: {  	[smem:$0x3FB7] =	sst s9;
	s0 =	simm.s32 @!p0 $0x0  }
0x12: {  	s1 =	sld [smem:$0x3F9D];
	s0 =	simm.s32 @p0 $0x1  }
0x13: {  	[smem:$0x3FB8] =	sst s0;
	s0 =	simm.s32 @!p1 $0x0  }
0x14: {  	s2 =	sld [smem:$0x3F9C];
	s0 =	simm.s32 @p1 $0x1  }
0x15: {  	[smem:$0x3FB9] =	sst s0;
	s0 =	simm.s32 @!p2 $0x0  }
0x16: {  	s3 =	sld [smem:$0x3FDB];
	s0 =	simm.s32 @p2 $0x1  }
0x17: {  	s4 =	simm.s32 $0x1BF5;
	[smem:$0x3FBB] =	sst s0  }
0x18: {  	s0 =	sld [smem:$0x3F9E];
	_ =	swait.ge [sflag:s4], $0x0  }
0x19: {  	s7 =	sld [smem:$0x3F9F]  }
0x1a: {  	s8 =	sadd.s32 $0xFFFFE003, lr  }
0x1b: {  	s9 =	sadd.s32 $0xFFFFFEF7, lr;
	s5 =	simm.s32 $0xFFFFFFFF;
	p2 =	slt.u32 s8, $0xFFFFF086  }
0x1c: {  	p1 =	slt.u32 s9, $0xF7A;
	s5 =	simm.s32 @!p2 $0x0  }
0x1d: {  	s5 =	simm.s32 @p1 $0x1;
	p0 =	seq.s32 s7, s2  }
0x1e: {  	s7 =	smul.u32 @!p0 $0xF7A, s2;
	p2 =	seq.s32 @!p0 s5, $0x0  }
0x1f: {  	s9 =	smul.u32 $0xF7A, s1;
	s8 =	simm.s32 @!p0 $0x1BF5;
	p2 =	por !p2, p0  }
0x20: {  	[sflag:s8] =	ssyncset.s32 @!p0 $0xFFFFF086;
	s6 =	sadd.s32 @!p0 s3, s7;
	s7 =	simm.s32 @!p0 $0x108  }
0x21: {  	s3 =	sadd.s32 s3, s9;
	s6 =	sadd.s32 @!p0 $0x88, s6;
	s7 =	simm.s32 @p2 $0x1082  }
0x22: {  	[simem:s7], [sflag:s8] =	dma.local @!p0 [hbm:s6], $0xF7A  }
0x23: {  	s9 =	sor.u32 $0xD0000000, s2;
	s6 =	simm.s32 $0x108;
	_ =	swait.ge @!p0 [sflag:s8], $0x0  }
0x24: {  	s3 =	sadd.s32 $0x88, s3;
	s6 =	simm.s32 @!p1 $0x1082;
	[sflag:s4] =	ssyncset.s32 $0xFFFFF086  }
0x25: {  	[simem:s6], [sflag:s4] =	dma.local [hbm:s3], $0xF7A  }
0x26: {  	[smem:$0x3F9F] =	sst s1;
	(tag) =	ssettag s2;
	_ =	strace s9  }
0x27: {  	s1 =	sld [smem:$0x3FAF]  }
0x28: {  	s2 =	sld [smem:$0x3FB0]  }
0x29: {  	s4 =	sld [smem:$0x3FB2]  }
0x2a: {  	p0 =	seq.s32 s5, $0x0;
	s5 =	sld [smem:$0x3FB3]  }
0x2b: {  	s6 =	sld [smem:$0x3FB4]  }
0x2c: {  	s7 =	sld [smem:$0x3FB5]  }
0x2d: {  	s3 =	simm.s32 $0x108;
	s8 =	sld [smem:$0x3FB6]  }
0x2e: {  	s3 =	simm.s32 @!p0 $0x1082;
	s9 =	sld [smem:$0x3FB7]  }
0x2f: {  	lr =	sadd.s32 s0, s3;
	s0 =	sld [smem:$0x3FAE]  }
0x30: {  	s3 =	sld [smem:$0x3FB1]  }
0x31: {  	[smem:$0x3FBA] =	sst s10  }
0x32: {  	s10 =	sld [smem:$0x3FB8];
	_ =	sdelay $0x3  }
0x33: {  	p0 =	seq.s32 s10, $0x1;
	s10 =	sld [smem:$0x3FBA];
	_ =	sdelay $0x3  }
0x34: {  	[smem:$0x3FBA] =	sst s10  }
0x35: {  	s10 =	sld [smem:$0x3FB9];
	_ =	sdelay $0x3  }
0x36: {  	p1 =	seq.s32 s10, $0x1;
	s10 =	sld [smem:$0x3FBA];
	_ =	sdelay $0x3  }
0x37: {  	[smem:$0x3FBA] =	sst s10  }
0x38: {  	s10 =	sld [smem:$0x3FBB]  }
0x39: {  	_ = 	snop;
	(pc) =	sbr.ind lr, $3  }
0x3a: {  	_ = 	snop  }
0x3b: {  	_ = 	snop  }
0x3c: {  	p2 =	seq.s32 s10, $0x1;
	s10 =	sld [smem:$0x3FBA]  }
0x3d: {  	_ =	shalt  }
0x3e: {  	_ =	shalt  }
0x3f: {  	_ =	shalt  }
0x40: {  	_ =	shalt  }
0x41: {  	_ =	shalt  }
0x42: {  	_ =	shalt  }
0x43: {  	_ =	shalt  }
0x44: {  	_ =	shalt  }
0x45: {  	_ =	shalt  }
0x46: {  	_ =	shalt  }
0x47: {  	_ =	shalt  }
0x48: {  	_ =	shalt  }
0x49: {  	_ =	shalt  }
0x4a: {  	_ =	shalt  }
0x4b: {  	_ =	shalt  }
0x4c: {  	_ =	shalt  }
0x4d: {  	_ =	shalt  }
0x4e: {  	_ =	shalt  }
0x4f: {  	_ =	shalt  }
0x50: {  	_ =	shalt  }
0x51: {  	_ =	shalt  }
0x52: {  	_ =	shalt  }
0x53: {  	_ =	shalt  }
0x54: {  	_ =	shalt  }
0x55: {  	_ =	shalt  }
0x56: {  	_ =	shalt  }
0x57: {  	_ =	shalt  }
0x58: {  	_ =	shalt  }
0x59: {  	_ =	shalt  }
0x5a: {  	_ =	shalt  }
0x5b: {  	_ =	shalt  }
0x5c: {  	_ =	shalt  }
0x5d: {  	_ =	shalt  }
0x5e: {  	_ =	shalt  }
0x5f: {  	_ =	shalt  }
0x60: {  	_ =	shalt  }
0x61: {  	_ =	shalt  }
0x62: {  	_ =	shalt  }
0x63: {  	_ =	shalt  }
0x64: {  	_ =	shalt  }
0x65: {  	_ =	shalt  }
0x66: {  	_ =	shalt  }
0x67: {  	_ =	shalt  }
0x68: {  	_ =	shalt  }
0x69: {  	_ =	shalt  }
0x6a: {  	_ =	shalt  }
0x6b: {  	_ =	shalt  }
0x6c: {  	_ =	shalt  }
0x6d: {  	_ =	shalt  }
0x6e: {  	_ =	shalt  }
0x6f: {  	_ =	shalt  }
0x70: {  	_ =	shalt  }
0x71: {  	_ =	shalt  }
0x72: {  	_ =	shalt  }
0x73: {  	_ =	shalt  }
0x74: {  	_ =	shalt  }
0x75: {  	_ =	shalt  }
0x76: {  	_ =	shalt  }
0x77: {  	_ =	shalt  }
0x78: {  	_ =	shalt  }
0x79: {  	_ =	shalt  }
0x7a: {  	_ =	shalt  }
0x7b: {  	_ =	shalt  }
0x7c: {  	_ =	shalt  }
0x7d: {  	_ =	shalt  }
0x7e: {  	_ =	shalt  }
0x7f: {  	_ =	shalt  }
0x80: {  	_ =	shalt  }
0x81: {  	_ =	shalt  }
0x82: {  	_ =	shalt  }
0x83: {  	_ =	shalt  }
0x84: {  	_ =	shalt  }
0x85: {  	_ =	shalt  }
0x86: {  	_ =	shalt  }
0x87: {  	_ =	shalt  }
.Lfunc_end0:
.L_simem_size_0:
called_computation_lowered:
.L_overlay_start_0:
0x88: {  	s2 =	sld [smem:$0x3FD9]  }
0x89: {  	s3 =	sld [smem:$0x3FFE];
	_ =	sdelay $0x1  }
0x8a: {  	s1 =	srdreg.scid  }
0x8b: {  	s0 =	sand.u32 $0x1, s1  }
0x8c: {  	s18 =	sshll.u32 s0, $0xA;
	s2 =	sadd.s32 s3, s2  }
0x8d: {  	s2 =	sadd.s32 s2, s18  }
0x8e: {  	[smem:$0x3FC6] =	sst s2  }
0x8f: {  	_ = 	snop  }
0x90: {  	s2 =	sld [smem:$0x3FC9]  }
0x91: {  	s19 =	sld [smem:$0x3FC8]  }
0x92: {  	s4 =	sld [smem:$0x3FD0];
	(tm) =	ssettm $0x1  }
0x93: {  	s5 =	sld [smem:$0x3FFB];
	_ =	sdelay $0x3  }
0x94: {  	_ =	strace s5  }
0x95: {  	s5 =	sld [smem:$0x3FFC];
	_ =	sdelay $0x3  }
0x96: {  	_ =	strace s5  }
0x97: {  	s5 =	sld [smem:$0x3FFD];
	_ =	sdelay $0x3  }
0x98: {  	_ =	strace s5  }
0x99: {  	_ =	strace $0x8FFFFFFF  }
0x9a: {  	s20 =	sld [smem:$0x3FDB];
	_ =	sdelay $0x1  }
0x9b: {  	s6 =	simm.s32 $_scs_section_size  }
0x9c: {  	s7 =	simm.s32 $_size__tile_overlayer_lowered;
	s8 =	simm.s32 $_tile_overlayer_lowered  }
0x9d: {  	s23 =	simm.s32 $0x1BFF;
	s22 =	sshll.u32 s8, $0x1;
	s5 =	sadd.s32 s6, s20  }
0x9e: {  	s9 =	simm.s32 $0x0;
	s21 =	sshll.u32 s7, $0x1;
	s7 =	sadd.s32 s22, s5  }
0x9f: {  	[timem:s9], [sflag:s23] =	dma.local [hbm:s7], s21  }
0xa0: {  	_ =	swait.ge [sflag:s23], s21  }
0xa1: {  	s6 =	ssub.s32 $0x0, s21;
	[sflag:s23] =	ssyncset.done $0x0  }
0xa2: {  	[sflag:s23] =	ssyncadd.s32 s6;
	_ =	sdelay $0x1  }
0xa3: {  	s24 =	simm.s32 $0x1B8B  }
0xa4: {  	_ =	swait.ge [sflag:s24], $0x1  }
0xa5: {  	[sflag:s24] =	ssyncset.done $0x0  }
0xa6: {  	s25 =	simm.s32 $0x1B8E;
	[sflag:s24] =	ssyncadd.s32 $0xFFFFFFFF  }
0xa7: {  	s26 =	simm.s32 $execute0_lowered;
	[smem:$0x3FD2] =	sst s25  }
0xa8: {  	s6 =	sshll.u32 s26, $0x1;
	_ =	strace $0x80000046;
	[dreg:$0x1] =	wrdreg $0xFFFFFFFF  }
0xa9: {  	s28 =	simm.s32 $_size_execute0_lowered;
	s5 =	sadd.s32 s5, s6;
	[dreg:$0x0] =	wrdreg $0x0  }
0xaa: {  	s6 =	sshll.u32 s28, $0x1;
	[dreg:$0x2] =	wrdreg s5  }
0xab: {  	[dreg:$0x3] =	wrdreg s6  }
0xac: {  	[dreg:$0x4] =	wrdreg $0xC0  }
0xad: {  	_ =	task [dreg:s9], $0x5FFFF  }
0xae: {  	[dreg:$0x1] =	wrdreg $0xFFFFFFFF  }
0xaf: {  	[dreg:$0x0] =	wrdreg $0x60  }
0xb0: {  	[dreg:$0x2] =	wrdreg s2  }
0xb1: {  	[dreg:$0x3] =	wrdreg s19  }
0xb2: {  	[dreg:$0x4] =	wrdreg s4  }
0xb3: {  	[dreg:$0x5] =	wrdreg $0x9  }
0xb4: {  	_ =	task.clear_ibuf [dreg:s9], $0x6FFFF;
	_ =	strace $0x90000046  }
0xb5: {  	s29 =	simm.s32 $0x9;
	_ =	strace $0x80000048  }
0xb6: {  	_ =	swait.ge [sflag:s29], $0x1  }
0xb7: {  	[sflag:s29] =	ssyncadd.s32 $0xFFFFFFFF  }
0xb8: {  	_ =	strace $0x90000048  }
0xb9: {  	_ =	sfence  }
0xba: {  	s30 =	sld [smem:$0x0];
	_ =	sdelay $0x2  }
0xbb: {  	s31 =	sshll.u32 s1, $0xD;
	s1 =	sshrl.u32 s1, $0x2  }
0xbc: {  	s3 =	sand.u32 $0x4000, s31;
	s1 =	sadd.s32 s1, s30  }
0xbd: {  	s0 =	sor.u32 s3, s0;
	s1 =	sshll.u32 s1, $0x11  }
0xbe: {  	s0 =	sor.u32 s1, s0  }
0xbf: {  	s0 =	sadd.s32 $0x8F2B, s0  }
0xc0: {  	[sflag:s0] =	ssyncadd.remote.s32 $0x1  }
0xc1: {  	_ =	sfence.sel $0xFFFF  }
0xc2: {  	[dreg:$0x0] =	wrdreg $0xFFFFFFFF;
	(pc) =	sbr.abs _section_cstart, $3  }
0xc3: {  	[dreg:$0x1] =	wrdreg $0xFFFFFFFF  }
0xc4: {  	_ =	task.clear_ibuf [dreg:s9], $0x2FFFF;
	_ =	strace $0x9FFFFFFF  }
0xc5: {  	(tm) =	ssettm $0x7FFFFFFF  }
tec
execute0_lowered:
.L_overlay_start_1:
0x0: {  	(tag) =	ssettag $0x1  }
0x1: {  	s0 =	srdreg.scid;
	s3 =	rddreg [dreg:$0x0]  }
0x2: {  	s19 =	stileid.u32;
	s1 =	rddreg [dreg:$0x1]  }
0x3: {  	s5 =	rddreg [dreg:$0x2];
	s23 =	simm.s32 $0x10;
	s0 =	sand.u32 $0x1, s0  }
0x4: {  	s24 =	simm.s32 $0x18;
	s2 =	sshll.u32 s19, $0x8;
	s4 =	sshll.u32 s0, $0x7  }
0x5: {  	s0 =	ssub.s32 $0x2, s0;
	s4 =	sor.u32 s4, s2;
	s2 =	simm.s32 $0x0  }
0x6: {  	s20 =	sshrl.u32 s0, $0x1;
	s6 =	smul.u32 $0x160, s4;
	[smem:$0x7FF] =	sst s2  }
0x7: {  	s7 =	smul.u32 $0xB00, s4;
	s4 =	sshrl.u32 s4, $0x3;
	s0 =	ssub.s32 s0, s20  }
0x8: {  	_ =	strace $0x80000047;
	s1 =	sadd.s32 s1, s4;
	[dreg:$0x14] =	wrdreg s23  }
0x9: {  	s0 =	smax.u32 s0, $0x1;
	[dreg:$0x15] =	wrdreg s24;
	s22 =	sadd.s32 s5, s6  }
0xa: {  	s25 =	sshrl.u32 s7, $0x3;
	[dreg:$0x4] =	wrdreg s1;
	p1 =	sne.s32 s0, $0x1  }
0xb: {  	s1 =	sadd.s32 $0xFFFFFFFF, s0;
	s26 =	sadd.s32 $0xB00, s22;
	s0 =	rddreg [dreg:$0x4]  }
0xc: {  	s4 =	sadd.s32 s5, s25;
	s25 =	simm.s32 $0x20;
	[dreg:$0x5] =	wrdreg s26  }
0xd: {  	s6 =	sadd.s32 $0x1600, s4;
	[dreg:$0x16] =	wrdreg s25  }
0xe: {  	s7 =	sadd.s32 $0x2100, s4;
	[dreg:$0x6] =	wrdreg s6  }
0xf: {  	s31 =	simm.s32 $0xB;
	s8 =	sadd.s32 $0x2C00, s4;
	[dreg:$0x7] =	wrdreg s7  }
0x10: {  	s30 =	simm.s32 $0x38;
	s9 =	sadd.s32 $0x3700, s4;
	[dreg:$0x8] =	wrdreg s8  }
0x11: {  	s29 =	simm.s32 $0x40;
	s10 =	sadd.s32 $0x4200, s4;
	[dreg:$0x9] =	wrdreg s9  }
0x12: {  	s28 =	simm.s32 $0x48;
	s11 =	sadd.s32 $0x4D00, s4;
	[dreg:$0xa] =	wrdreg s10  }
0x13: {  	p0 =	por $0x0, $0x0;
	s12 =	sadd.s32 $0x5800, s4;
	[dreg:$0xb] =	wrdreg s11  }
0x14: {  	s20 =	simm.s32 $0x78;
	s13 =	sadd.s32 $0x6300, s4;
	[dreg:$0xc] =	wrdreg s12  }
0x15: {  	s24 =	simm.s32 $0x60;
	s14 =	sadd.s32 $0x6E00, s4;
	[dreg:$0xd] =	wrdreg s13  }
0x16: {  	s23 =	simm.s32 $0x68;
	s15 =	sadd.s32 $0x7900, s4;
	[dreg:$0xe] =	wrdreg s14  }
0x17: {  	s5 =	simm.s32 $0x6;
	s16 =	sadd.s32 $0x8400, s4;
	[dreg:$0xf] =	wrdreg s15  }
0x18: {  	s17 =	sadd.s32 $0x8F00, s4;
	s18 =	sadd.s32 $0x9A00, s4;
	[dreg:$0x10] =	wrdreg s16  }
0x19: {  	s21 =	sadd.s32 $0xA500, s4;
	s4 =	simm.s32 $0x8;
	[dreg:$0x11] =	wrdreg s17  }
0x1a: {  	s26 =	simm.s32 $0x28;
	s25 =	simm.s32 $0x58;
	[dreg:$0x12] =	wrdreg s18  }
0x1b: {  	[dreg:$0x13] =	wrdreg s21;
	s6 =	simm.s32 $0x80;
	s14 =	simm.s32 $0x5880  }
.Ltmp0:
0x1c: {  	s13 =	simm.s32 $0xB080;
	s12 =	simm.s32 $0x10880;
	(pc) =	sbr.rel @!p1 .LBB2_1-.Ltmp0, $4  }
0x1d: {  	s11 =	simm.s32 $0x16080;
	s9 =	simm.s32 $0x1;
	[dreg:$0x17] =	wrdreg s26  }
0x1e: {  	s18 =	simm.s32 $0x2;
	s10 =	simm.s32 $0x7;
	s17 =	simm.s32 $0x3  }
0x1f: {  	s16 =	simm.s32 $0x4;
	s7 =	simm.s32 $0x9;
	s15 =	simm.s32 $0x5  }
0x20: {  	s8 =	simm.s32 $0xA;
	s26 =	simm.s32 $0x50;
	s21 =	simm.s32 $0x70  }
0x21: {  	[tilespmem:s2], [sflag:$0xB] =	stream.linear.gather [hbm4b:s0+s2], $0x80, $0x38;
	[tilespmem:$0x1B880] =	vst v63  }
0x22: {  	_ =	swait.ge [sflag:s31], $0x80  }
0x23: {  	[sflag:s31] =	ssyncset.done $0x0  }
0x24: {  	[sflag:s31] =	ssyncadd.s32 $0xFFFFFF80  }
0x25: {  	[tilespmem:s6], [sflag:$0x1] =	stream.indirect.gather [hbm4b:s3+s4], $0xB00, s2, s4, $0xb8;
	[tilespmem:$0x1B880] =	vst v63  }
0x26: {  	_ = 	snop  }
0x27: {  	[tilespmem:s14], [sflag:$0x2] =	stream.indirect.gather [hbm4b:s3+s4], $0xB00, s4, s4, $0xb8;
	[tilespmem:$0x1B880] =	vst v63  }
0x28: {  	s0 =	rddreg [dreg:$0x14]  }
0x29: {  	[tilespmem:s13], [sflag:$0x3] =	stream.indirect.gather [hbm4b:s3+s4], $0xB00, s0, s4, $0xb8;
	[tilespmem:$0x1B880] =	vst v63  }
0x2a: {  	s19 =	smov.u32 s1;
	s1 =	rddreg [dreg:$0x15]  }
0x2b: {  	[tilespmem:s12], [sflag:$0x4] =	stream.indirect.gather [hbm4b:s3+s4], $0xB00, s1, s4, $0xb8;
	[tilespmem:$0x1B880] =	vst v63  }
0x2c: {  	s0 =	rddreg [dreg:$0x16]  }
0x2d: {  	[tilespmem:s11], [sflag:$0x5] =	stream.indirect.gather [hbm4b:s3+s4], $0xB00, s0, s4, $0xb8;
	[tilespmem:$0x1B880] =	vst v63  }
0x2e: {  	_ =	swait.ge [sflag:s9], $0x5800  }
0x2f: {  	[sflag:s9] =	ssyncset.done $0x0  }
0x30: {  	[sflag:s9] =	ssyncadd.s32 $0xFFFFA800  }
0x31: {  	[hbm4b:s22+s2] =	stream.linear.scatter [tilespmem:s6], [sflag:$0x6], $0x5800, $0x38;
	[tilespmem:$0x1B880] =	vst v63  }
0x32: {  	_ =	swait.ge [sflag:s5], $0x5800  }
0x33: {  	[sflag:s5] =	ssyncset.done $0x0  }
0x34: {  	s1 =	rddreg [dreg:$0x17];
	[sflag:s5] =	ssyncadd.s32 $0xFFFFA800  }
0x35: {  	[tilespmem:s6], [sflag:$0x1] =	stream.indirect.gather [hbm4b:s3+s4], $0xB00, s1, s4, $0xb8;
	[tilespmem:$0x1B880] =	vst v63  }
0x36: {  	_ =	swait.ge [sflag:s18], $0x5800  }
0x37: {  	[sflag:s18] =	ssyncset.done $0x0  }
0x38: {  	s1 =	rddreg [dreg:$0x5];
	[sflag:s18] =	ssyncadd.s32 $0xFFFFA800  }
0x39: {  	[hbm4b:s1+s2] =	stream.linear.scatter [tilespmem:s14], [sflag:$0x7], $0x5800, $0x38;
	[tilespmem:$0x1B880] =	vst v63  }
0x3a: {  	_ =	swait.ge [sflag:s10], $0x5800  }
0x3b: {  	[sflag:s10] =	ssyncset.done $0x0  }
0x3c: {  	s1 =	simm.s32 $0x30;
	[sflag:s10] =	ssyncadd.s32 $0xFFFFA800  }
0x3d: {  	[tilespmem:s14], [sflag:$0x2] =	stream.indirect.gather [hbm4b:s3+s4], $0xB00, s1, s4, $0xb8;
	[tilespmem:$0x1B880] =	vst v63  }
0x3e: {  	_ =	swait.ge [sflag:s17], $0x5800  }
0x3f: {  	[sflag:s17] =	ssyncset.done $0x0  }
0x40: {  	s1 =	rddreg [dreg:$0x6];
	[sflag:s17] =	ssyncadd.s32 $0xFFFFA800  }
0x41: {  	[hbm4b:s1+s2] =	stream.linear.scatter [tilespmem:s13], [sflag:$0x8], $0x5800, $0x38;
	[tilespmem:$0x1B880] =	vst v63  }
0x42: {  	_ =	swait.ge [sflag:s4], $0x5800  }
0x43: {  	[sflag:s4] =	ssyncset.done $0x0  }
0x44: {  	[sflag:s4] =	ssyncadd.s32 $0xFFFFA800  }
0x45: {  	[tilespmem:s13], [sflag:$0x3] =	stream.indirect.gather [hbm4b:s3+s4], $0xB00, s30, s4, $0xb8;
	[tilespmem:$0x1B880] =	vst v63  }
0x46: {  	_ =	swait.ge [sflag:s16], $0x5800  }
0x47: {  	[sflag:s16] =	ssyncset.done $0x0  }
0x48: {  	s1 =	rddreg [dreg:$0x7];
	[sflag:s16] =	ssyncadd.s32 $0xFFFFA800  }
0x49: {  	[hbm4b:s1+s2] =	stream.linear.scatter [tilespmem:s12], [sflag:$0x9], $0x5800, $0x38;
	[tilespmem:$0x1B880] =	vst v63  }
0x4a: {  	_ =	swait.ge [sflag:s7], $0x5800  }
0x4b: {  	[sflag:s7] =	ssyncset.done $0x0  }
0x4c: {  	[sflag:s7] =	ssyncadd.s32 $0xFFFFA800  }
0x4d: {  	[tilespmem:s12], [sflag:$0x4] =	stream.indirect.gather [hbm4b:s3+s4], $0xB00, s29, s4, $0xb8;
	[tilespmem:$0x1B880] =	vst v63  }
0x4e: {  	_ =	swait.ge [sflag:s15], $0x5800  }
0x4f: {  	[sflag:s15] =	ssyncset.done $0x0  }
0x50: {  	s1 =	rddreg [dreg:$0x8];
	[sflag:s15] =	ssyncadd.s32 $0xFFFFA800  }
0x51: {  	[hbm4b:s1+s2] =	stream.linear.scatter [tilespmem:s11], [sflag:$0xA], $0x5800, $0x38;
	[tilespmem:$0x1B880] =	vst v63  }
0x52: {  	_ =	swait.ge [sflag:s8], $0x5800  }
0x53: {  	[sflag:s8] =	ssyncset.done $0x0  }
0x54: {  	[sflag:s8] =	ssyncadd.s32 $0xFFFFA800  }
0x55: {  	[tilespmem:s11], [sflag:$0x5] =	stream.indirect.gather [hbm4b:s3+s4], $0xB00, s28, s4, $0xb8;
	[tilespmem:$0x1B880] =	vst v63  }
0x56: {  	_ =	swait.ge [sflag:s9], $0x5800  }
0x57: {  	[sflag:s9] =	ssyncset.done $0x0  }
0x58: {  	s1 =	rddreg [dreg:$0x9];
	[sflag:s9] =	ssyncadd.s32 $0xFFFFA800  }
0x59: {  	[hbm4b:s1+s2] =	stream.linear.scatter [tilespmem:s6], [sflag:$0x6], $0x5800, $0x38;
	[tilespmem:$0x1B880] =	vst v63  }
0x5a: {  	_ =	swait.ge [sflag:s5], $0x5800  }
0x5b: {  	[sflag:s5] =	ssyncset.done $0x0  }
0x5c: {  	[sflag:s5] =	ssyncadd.s32 $0xFFFFA800  }
0x5d: {  	[tilespmem:s6], [sflag:$0x1] =	stream.indirect.gather [hbm4b:s3+s4], $0xB00, s26, s4, $0xb8;
	[tilespmem:$0x1B880] =	vst v63  }
0x5e: {  	_ =	swait.ge [sflag:s18], $0x5800  }
0x5f: {  	[sflag:s18] =	ssyncset.done $0x0  }
0x60: {  	s1 =	rddreg [dreg:$0xa];
	[sflag:s18] =	ssyncadd.s32 $0xFFFFA800  }
0x61: {  	[hbm4b:s1+s2] =	stream.linear.scatter [tilespmem:s14], [sflag:$0x7], $0x5800, $0x38;
	[tilespmem:$0x1B880] =	vst v63  }
0x62: {  	_ =	swait.ge [sflag:s10], $0x5800  }
0x63: {  	[sflag:s10] =	ssyncset.done $0x0  }
0x64: {  	[sflag:s10] =	ssyncadd.s32 $0xFFFFA800  }
0x65: {  	[tilespmem:s14], [sflag:$0x2] =	stream.indirect.gather [hbm4b:s3+s4], $0xB00, s25, s4, $0xb8;
	[tilespmem:$0x1B880] =	vst v63  }
0x66: {  	_ =	swait.ge [sflag:s17], $0x5800  }
0x67: {  	[sflag:s17] =	ssyncset.done $0x0  }
0x68: {  	s1 =	rddreg [dreg:$0xb];
	[sflag:s17] =	ssyncadd.s32 $0xFFFFA800  }
0x69: {  	[hbm4b:s1+s2] =	stream.linear.scatter [tilespmem:s13], [sflag:$0x8], $0x5800, $0x38;
	[tilespmem:$0x1B880] =	vst v63  }
0x6a: {  	_ =	swait.ge [sflag:s4], $0x5800  }
0x6b: {  	[sflag:s4] =	ssyncset.done $0x0  }
0x6c: {  	[sflag:s4] =	ssyncadd.s32 $0xFFFFA800  }
0x6d: {  	[tilespmem:s13], [sflag:$0x3] =	stream.indirect.gather [hbm4b:s3+s4], $0xB00, s24, s4, $0xb8;
	[tilespmem:$0x1B880] =	vst v63  }
0x6e: {  	_ =	swait.ge [sflag:s16], $0x5800  }
0x6f: {  	[sflag:s16] =	ssyncset.done $0x0  }
0x70: {  	s1 =	rddreg [dreg:$0xc];
	[sflag:s16] =	ssyncadd.s32 $0xFFFFA800  }
0x71: {  	[hbm4b:s1+s2] =	stream.linear.scatter [tilespmem:s12], [sflag:$0x9], $0x5800, $0x38;
	[tilespmem:$0x1B880] =	vst v63  }
0x72: {  	_ =	swait.ge [sflag:s7], $0x5800  }
0x73: {  	[sflag:s7] =	ssyncset.done $0x0  }
0x74: {  	[sflag:s7] =	ssyncadd.s32 $0xFFFFA800  }
0x75: {  	[tilespmem:s12], [sflag:$0x4] =	stream.indirect.gather [hbm4b:s3+s4], $0xB00, s23, s4, $0xb8;
	[tilespmem:$0x1B880] =	vst v63  }
0x76: {  	_ =	swait.ge [sflag:s15], $0x5800  }
0x77: {  	[sflag:s15] =	ssyncset.done $0x0  }
0x78: {  	s1 =	rddreg [dreg:$0xd];
	[sflag:s15] =	ssyncadd.s32 $0xFFFFA800  }
0x79: {  	[hbm4b:s1+s2] =	stream.linear.scatter [tilespmem:s11], [sflag:$0xA], $0x5800, $0x38;
	[tilespmem:$0x1B880] =	vst v63  }
0x7a: {  	_ =	swait.ge [sflag:s8], $0x5800  }
0x7b: {  	[sflag:s8] =	ssyncset.done $0x0  }
0x7c: {  	[sflag:s8] =	ssyncadd.s32 $0xFFFFA800  }
0x7d: {  	[tilespmem:s11], [sflag:$0x5] =	stream.indirect.gather [hbm4b:s3+s4], $0xB00, s21, s4, $0xb8;
	[tilespmem:$0x1B880] =	vst v63  }
0x7e: {  	_ =	swait.ge [sflag:s9], $0x5800  }
0x7f: {  	[sflag:s9] =	ssyncset.done $0x0  }
0x80: {  	s1 =	rddreg [dreg:$0xe];
	[sflag:s9] =	ssyncadd.s32 $0xFFFFA800  }
0x81: {  	[hbm4b:s1+s2] =	stream.linear.scatter [tilespmem:s6], [sflag:$0x6], $0x5800, $0x38;
	[tilespmem:$0x1B880] =	vst v63  }
0x82: {  	_ =	swait.ge [sflag:s5], $0x5800  }
0x83: {  	[sflag:s5] =	ssyncset.done $0x0  }
0x84: {  	[sflag:s5] =	ssyncadd.s32 $0xFFFFA800  }
0x85: {  	[tilespmem:s6], [sflag:$0x1] =	stream.indirect.gather [hbm4b:s3+s4], $0xB00, s20, s4, $0xb8;
	[tilespmem:$0x1B880] =	vst v63  }
0x86: {  	_ =	swait.ge [sflag:s18], $0x5800  }
0x87: {  	[sflag:s18] =	ssyncset.done $0x0  }
0x88: {  	s1 =	rddreg [dreg:$0xf];
	[sflag:s18] =	ssyncadd.s32 $0xFFFFA800  }
0x89: {  	[hbm4b:s1+s2] =	stream.linear.scatter [tilespmem:s14], [sflag:$0x7], $0x5800, $0x38;
	[tilespmem:$0x1B880] =	vst v63  }
0x8a: {  	_ =	swait.ge [sflag:s17], $0x5800  }
0x8b: {  	[sflag:s17] =	ssyncset.done $0x0  }
0x8c: {  	s1 =	rddreg [dreg:$0x10];
	[sflag:s17] =	ssyncadd.s32 $0xFFFFA800  }
0x8d: {  	[hbm4b:s1+s2] =	stream.linear.scatter [tilespmem:s13], [sflag:$0x8], $0x5800, $0x38;
	[tilespmem:$0x1B880] =	vst v63  }
0x8e: {  	_ =	swait.ge [sflag:s16], $0x5800  }
0x8f: {  	[sflag:s16] =	ssyncset.done $0x0  }
0x90: {  	s1 =	rddreg [dreg:$0x11];
	[sflag:s16] =	ssyncadd.s32 $0xFFFFA800  }
0x91: {  	[hbm4b:s1+s2] =	stream.linear.scatter [tilespmem:s12], [sflag:$0x9], $0x5800, $0x38;
	[tilespmem:$0x1B880] =	vst v63  }
0x92: {  	_ =	swait.ge [sflag:s15], $0x5800  }
0x93: {  	[sflag:s15] =	ssyncset.done $0x0  }
0x94: {  	s1 =	rddreg [dreg:$0x12];
	[sflag:s15] =	ssyncadd.s32 $0xFFFFA800  }
0x95: {  	[hbm4b:s1+s2] =	stream.linear.scatter [tilespmem:s11], [sflag:$0xA], $0x5800, $0x38;
	[tilespmem:$0x1B880] =	vst v63  }
0x96: {  	_ =	swait.ge [sflag:s9], $0x5800  }
0x97: {  	[sflag:s9] =	ssyncset.done $0x0  }
0x98: {  	s1 =	rddreg [dreg:$0x13];
	[sflag:s9] =	ssyncadd.s32 $0xFFFFA800  }
0x99: {  	[hbm4b:s1+s2] =	stream.linear.scatter [tilespmem:s6], [sflag:$0x6], $0x5800, $0x38;
	[tilespmem:$0x1B880] =	vst v63  }
0x9a: {  	_ =	swait.ge [sflag:s10], $0x5800  }
0x9b: {  	[sflag:s10] =	ssyncset.done $0x0  }
0x9c: {  	[sflag:s10] =	ssyncadd.s32 $0xFFFFA800  }
0x9d: {  	_ =	swait.ge [sflag:s4], $0x5800  }
0x9e: {  	[sflag:s4] =	ssyncset.done $0x0  }
0x9f: {  	[sflag:s4] =	ssyncadd.s32 $0xFFFFA800  }
0xa0: {  	_ =	swait.ge [sflag:s7], $0x5800  }
0xa1: {  	[sflag:s7] =	ssyncset.done $0x0  }
0xa2: {  	p1 =	sne.s32 s19, $0x1;
	[sflag:s7] =	ssyncadd.s32 $0xFFFFA800  }
.Ltmp1:
0xa3: {  	_ =	swait.ge [sflag:s8], $0x5800;
	(pc) =	sbr.rel @!p1 .LBB2_3-.Ltmp1, $4  }
0xa4: {  	[sflag:s8] =	ssyncset.done $0x0  }
0xa5: {  	[sflag:s8] =	ssyncadd.s32 $0xFFFFA800  }
0xa6: {  	p0 =	por $0x1, $0x1;
	_ =	swait.ge [sflag:s5], $0x5800  }
0xa7: {  	s1 =	sadd.s32 $0xFFFFFFFF, s19;
	s0 =	rddreg [dreg:$0x4];
	[sflag:s5] =	ssyncset.done $0x0  }
.LBB2_4:
0xa8: {  	[sflag:s5] =	ssyncadd.s32 $0xFFFFA800  }
0xa9: {  	[tilespmem:s2], [sflag:$0xB] =	stream.linear.gather [hbm4b:s0+s2], $0x80, $0x38;
	[tilespmem:$0x1B880] =	vst v63  }
0xaa: {  	_ =	swait.ge [sflag:s31], $0x80  }
0xab: {  	[sflag:s31] =	ssyncset.done $0x0  }
0xac: {  	[sflag:s31] =	ssyncadd.s32 $0xFFFFFF80  }
0xad: {  	[tilespmem:s6], [sflag:$0x1] =	stream.indirect.gather [hbm4b:s3+s4], $0xB00, s2, s4, $0xb8;
	[tilespmem:$0x1B880] =	vst v63  }
0xae: {  	_ = 	snop  }
0xaf: {  	[tilespmem:s14], [sflag:$0x2] =	stream.indirect.gather [hbm4b:s3+s4], $0xB00, s4, s4, $0xb8;
	[tilespmem:$0x1B880] =	vst v63  }
0xb0: {  	s0 =	rddreg [dreg:$0x14]  }
0xb1: {  	[tilespmem:s13], [sflag:$0x3] =	stream.indirect.gather [hbm4b:s3+s4], $0xB00, s0, s4, $0xb8;
	[tilespmem:$0x1B880] =	vst v63  }
0xb2: {  	s19 =	rddreg [dreg:$0x15]  }
0xb3: {  	[tilespmem:s12], [sflag:$0x4] =	stream.indirect.gather [hbm4b:s3+s4], $0xB00, s19, s4, $0xb8;
	[tilespmem:$0x1B880] =	vst v63  }
0xb4: {  	s0 =	rddreg [dreg:$0x16]  }
0xb5: {  	[tilespmem:s11], [sflag:$0x5] =	stream.indirect.gather [hbm4b:s3+s4], $0xB00, s0, s4, $0xb8;
	[tilespmem:$0x1B880] =	vst v63  }
0xb6: {  	_ =	swait.ge [sflag:s9], $0x5800  }
0xb7: {  	[sflag:s9] =	ssyncset.done $0x0  }
0xb8: {  	[sflag:s9] =	ssyncadd.s32 $0xFFFFA800  }
0xb9: {  	[hbm4b:s22+s2] =	stream.linear.scatter [tilespmem:s6], [sflag:$0x6], $0x5800, $0x38;
	[tilespmem:$0x1B880] =	vst v63  }
0xba: {  	_ =	swait.ge [sflag:s5], $0x5800  }
0xbb: {  	[sflag:s5] =	ssyncset.done $0x0  }
0xbc: {  	s19 =	rddreg [dreg:$0x17];
	[sflag:s5] =	ssyncadd.s32 $0xFFFFA800  }
0xbd: {  	[tilespmem:s6], [sflag:$0x1] =	stream.indirect.gather [hbm4b:s3+s4], $0xB00, s19, s4, $0xb8;
	[tilespmem:$0x1B880] =	vst v63  }
0xbe: {  	_ =	swait.ge [sflag:s18], $0x5800  }
0xbf: {  	[sflag:s18] =	ssyncset.done $0x0  }
0xc0: {  	s19 =	rddreg [dreg:$0x5];
	[sflag:s18] =	ssyncadd.s32 $0xFFFFA800  }
0xc1: {  	[hbm4b:s19+s2] =	stream.linear.scatter [tilespmem:s14], [sflag:$0x7], $0x5800, $0x38;
	[tilespmem:$0x1B880] =	vst v63  }
0xc2: {  	_ =	swait.ge [sflag:s10], $0x5800  }
0xc3: {  	[sflag:s10] =	ssyncset.done $0x0  }
0xc4: {  	s19 =	simm.s32 $0x30;
	[sflag:s10] =	ssyncadd.s32 $0xFFFFA800  }
0xc5: {  	[tilespmem:s14], [sflag:$0x2] =	stream.indirect.gather [hbm4b:s3+s4], $0xB00, s19, s4, $0xb8;
	[tilespmem:$0x1B880] =	vst v63  }
0xc6: {  	_ =	swait.ge [sflag:s17], $0x5800  }
0xc7: {  	[sflag:s17] =	ssyncset.done $0x0  }
0xc8: {  	s19 =	rddreg [dreg:$0x6];
	[sflag:s17] =	ssyncadd.s32 $0xFFFFA800  }
0xc9: {  	[hbm4b:s19+s2] =	stream.linear.scatter [tilespmem:s13], [sflag:$0x8], $0x5800, $0x38;
	[tilespmem:$0x1B880] =	vst v63  }
0xca: {  	_ =	swait.ge [sflag:s4], $0x5800  }
0xcb: {  	[sflag:s4] =	ssyncset.done $0x0  }
0xcc: {  	[sflag:s4] =	ssyncadd.s32 $0xFFFFA800  }
0xcd: {  	[tilespmem:s13], [sflag:$0x3] =	stream.indirect.gather [hbm4b:s3+s4], $0xB00, s30, s4, $0xb8;
	[tilespmem:$0x1B880] =	vst v63  }
0xce: {  	_ =	swait.ge [sflag:s16], $0x5800  }
0xcf: {  	[sflag:s16] =	ssyncset.done $0x0  }
0xd0: {  	s19 =	rddreg [dreg:$0x7];
	[sflag:s16] =	ssyncadd.s32 $0xFFFFA800  }
0xd1: {  	[hbm4b:s19+s2] =	stream.linear.scatter [tilespmem:s12], [sflag:$0x9], $0x5800, $0x38;
	[tilespmem:$0x1B880] =	vst v63  }
0xd2: {  	_ =	swait.ge [sflag:s7], $0x5800  }
0xd3: {  	[sflag:s7] =	ssyncset.done $0x0  }
0xd4: {  	[sflag:s7] =	ssyncadd.s32 $0xFFFFA800  }
0xd5: {  	[tilespmem:s12], [sflag:$0x4] =	stream.indirect.gather [hbm4b:s3+s4], $0xB00, s29, s4, $0xb8;
	[tilespmem:$0x1B880] =	vst v63  }
0xd6: {  	_ =	swait.ge [sflag:s15], $0x5800  }
0xd7: {  	[sflag:s15] =	ssyncset.done $0x0  }
0xd8: {  	s19 =	rddreg [dreg:$0x8];
	[sflag:s15] =	ssyncadd.s32 $0xFFFFA800  }
0xd9: {  	[hbm4b:s19+s2] =	stream.linear.scatter [tilespmem:s11], [sflag:$0xA], $0x5800, $0x38;
	[tilespmem:$0x1B880] =	vst v63  }
0xda: {  	_ =	swait.ge [sflag:s8], $0x5800  }
0xdb: {  	[sflag:s8] =	ssyncset.done $0x0  }
0xdc: {  	[sflag:s8] =	ssyncadd.s32 $0xFFFFA800  }
0xdd: {  	[tilespmem:s11], [sflag:$0x5] =	stream.indirect.gather [hbm4b:s3+s4], $0xB00, s28, s4, $0xb8;
	[tilespmem:$0x1B880] =	vst v63  }
0xde: {  	_ =	swait.ge [sflag:s9], $0x5800  }
0xdf: {  	[sflag:s9] =	ssyncset.done $0x0  }
0xe0: {  	s19 =	rddreg [dreg:$0x9];
	[sflag:s9] =	ssyncadd.s32 $0xFFFFA800  }
0xe1: {  	[hbm4b:s19+s2] =	stream.linear.scatter [tilespmem:s6], [sflag:$0x6], $0x5800, $0x38;
	[tilespmem:$0x1B880] =	vst v63  }
0xe2: {  	_ =	swait.ge [sflag:s5], $0x5800  }
0xe3: {  	[sflag:s5] =	ssyncset.done $0x0  }
0xe4: {  	[sflag:s5] =	ssyncadd.s32 $0xFFFFA800  }
0xe5: {  	[tilespmem:s6], [sflag:$0x1] =	stream.indirect.gather [hbm4b:s3+s4], $0xB00, s26, s4, $0xb8;
	[tilespmem:$0x1B880] =	vst v63  }
0xe6: {  	_ =	swait.ge [sflag:s18], $0x5800  }
0xe7: {  	[sflag:s18] =	ssyncset.done $0x0  }
0xe8: {  	s19 =	rddreg [dreg:$0xa];
	[sflag:s18] =	ssyncadd.s32 $0xFFFFA800  }
0xe9: {  	[hbm4b:s19+s2] =	stream.linear.scatter [tilespmem:s14], [sflag:$0x7], $0x5800, $0x38;
	[tilespmem:$0x1B880] =	vst v63  }
0xea: {  	_ =	swait.ge [sflag:s10], $0x5800  }
0xeb: {  	[sflag:s10] =	ssyncset.done $0x0  }
0xec: {  	[sflag:s10] =	ssyncadd.s32 $0xFFFFA800  }
0xed: {  	[tilespmem:s14], [sflag:$0x2] =	stream.indirect.gather [hbm4b:s3+s4], $0xB00, s25, s4, $0xb8;
	[tilespmem:$0x1B880] =	vst v63  }
0xee: {  	_ =	swait.ge [sflag:s17], $0x5800  }
0xef: {  	[sflag:s17] =	ssyncset.done $0x0  }
0xf0: {  	s19 =	rddreg [dreg:$0xb];
	[sflag:s17] =	ssyncadd.s32 $0xFFFFA800  }
0xf1: {  	[hbm4b:s19+s2] =	stream.linear.scatter [tilespmem:s13], [sflag:$0x8], $0x5800, $0x38;
	[tilespmem:$0x1B880] =	vst v63  }
0xf2: {  	_ =	swait.ge [sflag:s4], $0x5800  }
0xf3: {  	[sflag:s4] =	ssyncset.done $0x0  }
0xf4: {  	[sflag:s4] =	ssyncadd.s32 $0xFFFFA800  }
0xf5: {  	[tilespmem:s13], [sflag:$0x3] =	stream.indirect.gather [hbm4b:s3+s4], $0xB00, s24, s4, $0xb8;
	[tilespmem:$0x1B880] =	vst v63  }
0xf6: {  	_ =	swait.ge [sflag:s16], $0x5800  }
0xf7: {  	[sflag:s16] =	ssyncset.done $0x0  }
0xf8: {  	s19 =	rddreg [dreg:$0xc];
	[sflag:s16] =	ssyncadd.s32 $0xFFFFA800  }
0xf9: {  	[hbm4b:s19+s2] =	stream.linear.scatter [tilespmem:s12], [sflag:$0x9], $0x5800, $0x38;
	[tilespmem:$0x1B880] =	vst v63  }
0xfa: {  	_ =	swait.ge [sflag:s7], $0x5800  }
0xfb: {  	[sflag:s7] =	ssyncset.done $0x0  }
0xfc: {  	[sflag:s7] =	ssyncadd.s32 $0xFFFFA800  }
0xfd: {  	[tilespmem:s12], [sflag:$0x4] =	stream.indirect.gather [hbm4b:s3+s4], $0xB00, s23, s4, $0xb8;
	[tilespmem:$0x1B880] =	vst v63  }
0xfe: {  	_ =	swait.ge [sflag:s15], $0x5800  }
0xff: {  	[sflag:s15] =	ssyncset.done $0x0  }
0x100: {  	s19 =	rddreg [dreg:$0xd];
	[sflag:s15] =	ssyncadd.s32 $0xFFFFA800  }
0x101: {  	[hbm4b:s19+s2] =	stream.linear.scatter [tilespmem:s11], [sflag:$0xA], $0x5800, $0x38;
	[tilespmem:$0x1B880] =	vst v63  }
0x102: {  	_ =	swait.ge [sflag:s8], $0x5800  }
0x103: {  	[sflag:s8] =	ssyncset.done $0x0  }
0x104: {  	[sflag:s8] =	ssyncadd.s32 $0xFFFFA800  }
0x105: {  	[tilespmem:s11], [sflag:$0x5] =	stream.indirect.gather [hbm4b:s3+s4], $0xB00, s21, s4, $0xb8;
	[tilespmem:$0x1B880] =	vst v63  }
0x106: {  	_ =	swait.ge [sflag:s9], $0x5800  }
0x107: {  	[sflag:s9] =	ssyncset.done $0x0  }
0x108: {  	s19 =	rddreg [dreg:$0xe];
	[sflag:s9] =	ssyncadd.s32 $0xFFFFA800  }
0x109: {  	[hbm4b:s19+s2] =	stream.linear.scatter [tilespmem:s6], [sflag:$0x6], $0x5800, $0x38;
	[tilespmem:$0x1B880] =	vst v63  }
0x10a: {  	_ =	swait.ge [sflag:s5], $0x5800  }
0x10b: {  	[sflag:s5] =	ssyncset.done $0x0  }
0x10c: {  	[sflag:s5] =	ssyncadd.s32 $0xFFFFA800  }
0x10d: {  	[tilespmem:s6], [sflag:$0x1] =	stream.indirect.gather [hbm4b:s3+s4], $0xB00, s20, s4, $0xb8;
	[tilespmem:$0x1B880] =	vst v63  }
0x10e: {  	_ =	swait.ge [sflag:s18], $0x5800  }
0x10f: {  	[sflag:s18] =	ssyncset.done $0x0  }
0x110: {  	s19 =	rddreg [dreg:$0xf];
	[sflag:s18] =	ssyncadd.s32 $0xFFFFA800  }
0x111: {  	[hbm4b:s19+s2] =	stream.linear.scatter [tilespmem:s14], [sflag:$0x7], $0x5800, $0x38;
	[tilespmem:$0x1B880] =	vst v63  }
0x112: {  	_ =	swait.ge [sflag:s17], $0x5800  }
0x113: {  	[sflag:s17] =	ssyncset.done $0x0  }
0x114: {  	s19 =	rddreg [dreg:$0x10];
	[sflag:s17] =	ssyncadd.s32 $0xFFFFA800  }
0x115: {  	[hbm4b:s19+s2] =	stream.linear.scatter [tilespmem:s13], [sflag:$0x8], $0x5800, $0x38;
	[tilespmem:$0x1B880] =	vst v63  }
0x116: {  	_ =	swait.ge [sflag:s16], $0x5800  }
0x117: {  	[sflag:s16] =	ssyncset.done $0x0  }
0x118: {  	s19 =	rddreg [dreg:$0x11];
	[sflag:s16] =	ssyncadd.s32 $0xFFFFA800  }
0x119: {  	[hbm4b:s19+s2] =	stream.linear.scatter [tilespmem:s12], [sflag:$0x9], $0x5800, $0x38;
	[tilespmem:$0x1B880] =	vst v63  }
0x11a: {  	_ =	swait.ge [sflag:s15], $0x5800  }
0x11b: {  	[sflag:s15] =	ssyncset.done $0x0  }
0x11c: {  	s19 =	rddreg [dreg:$0x12];
	[sflag:s15] =	ssyncadd.s32 $0xFFFFA800  }
0x11d: {  	[hbm4b:s19+s2] =	stream.linear.scatter [tilespmem:s11], [sflag:$0xA], $0x5800, $0x38;
	[tilespmem:$0x1B880] =	vst v63  }
0x11e: {  	_ =	swait.ge [sflag:s9], $0x5800  }
0x11f: {  	[sflag:s9] =	ssyncset.done $0x0  }
0x120: {  	s19 =	rddreg [dreg:$0x13];
	[sflag:s9] =	ssyncadd.s32 $0xFFFFA800  }
0x121: {  	[hbm4b:s19+s2] =	stream.linear.scatter [tilespmem:s6], [sflag:$0x6], $0x5800, $0x38;
	[tilespmem:$0x1B880] =	vst v63  }
0x122: {  	_ =	swait.ge [sflag:s10], $0x5800  }
0x123: {  	[sflag:s10] =	ssyncset.done $0x0  }
0x124: {  	[sflag:s10] =	ssyncadd.s32 $0xFFFFA800  }
0x125: {  	_ =	swait.ge [sflag:s4], $0x5800  }
0x126: {  	[sflag:s4] =	ssyncset.done $0x0  }
0x127: {  	[sflag:s4] =	ssyncadd.s32 $0xFFFFA800  }
0x128: {  	_ =	swait.ge [sflag:s7], $0x5800  }
0x129: {  	[sflag:s7] =	ssyncset.done $0x0  }
0x12a: {  	p1 =	sne.s32 s1, $0x1;
	[sflag:s7] =	ssyncadd.s32 $0xFFFFA800  }
.Ltmp2:
0x12b: {  	_ =	swait.ge [sflag:s8], $0x5800;
	(pc) =	sbr.rel @p1 .LBB2_4-.Ltmp2, $4  }
0x12c: {  	[sflag:s8] =	ssyncset.done $0x0  }
0x12d: {  	[sflag:s8] =	ssyncadd.s32 $0xFFFFA800  }
0x12e: {  	_ =	swait.ge [sflag:s5], $0x5800  }
0x12f: {  	s1 =	sadd.s32 $0xFFFFFFFF, s1;
	s0 =	rddreg [dreg:$0x4];
	[sflag:s5] =	ssyncset.done $0x0  }
0x130: {  	s20 =	simm.s32 $0x30  }
0x131: {  	s30 =	simm.s32 $0x38;
	s29 =	simm.s32 $0x40;
	s28 =	simm.s32 $0x48  }
0x132: {  	s26 =	simm.s32 $0x50;
	s25 =	simm.s32 $0x58;
	s24 =	simm.s32 $0x60  }
0x133: {  	s23 =	simm.s32 $0x68;
	s21 =	simm.s32 $0x70;
	s19 =	stileid.u32  }
.LBB2_6:
0x134: {  	[sflag:s5] =	ssyncadd.s32 @p0 $0xFFFFA800  }
0x135: {  	[tilespmem:s2], [sflag:$0xB] =	stream.linear.gather [hbm4b:s0+s2], $0x80, $0x38;
	[tilespmem:$0x1B880] =	vst v63  }
0x136: {  	_ =	swait.ge [sflag:s31], $0x80  }
0x137: {  	[sflag:s31] =	ssyncset.done $0x0  }
0x138: {  	[sflag:s31] =	ssyncadd.s32 $0xFFFFFF80  }
0x139: {  	[tilespmem:s6], [sflag:$0x1] =	stream.indirect.gather [hbm4b:s3+s4], $0xB00, s2, s4, $0xb8;
	[tilespmem:$0x1B880] =	vst v63  }
0x13a: {  	_ = 	snop  }
0x13b: {  	[tilespmem:s14], [sflag:$0x2] =	stream.indirect.gather [hbm4b:s3+s4], $0xB00, s4, s4, $0xb8;
	[tilespmem:$0x1B880] =	vst v63  }
0x13c: {  	s31 =	rddreg [dreg:$0x14]  }
0x13d: {  	[tilespmem:s13], [sflag:$0x3] =	stream.indirect.gather [hbm4b:s3+s4], $0xB00, s31, s4, $0xb8;
	[tilespmem:$0x1B880] =	vst v63  }
0x13e: {  	s1 =	rddreg [dreg:$0x15]  }
0x13f: {  	[tilespmem:s12], [sflag:$0x4] =	stream.indirect.gather [hbm4b:s3+s4], $0xB00, s1, s4, $0xb8;
	[tilespmem:$0x1B880] =	vst v63  }
0x140: {  	s31 =	rddreg [dreg:$0x16]  }
0x141: {  	[tilespmem:s11], [sflag:$0x5] =	stream.indirect.gather [hbm4b:s3+s4], $0xB00, s31, s4, $0xb8;
	[tilespmem:$0x1B880] =	vst v63  }
0x142: {  	_ =	swait.ge [sflag:s9], $0x5800  }
0x143: {  	[sflag:s9] =	ssyncset.done $0x0  }
0x144: {  	[sflag:s9] =	ssyncadd.s32 $0xFFFFA800  }
0x145: {  	[hbm4b:s22+s2] =	stream.linear.scatter [tilespmem:s6], [sflag:$0x6], $0x5800, $0x38;
	[tilespmem:$0x1B880] =	vst v63  }
0x146: {  	_ =	swait.ge [sflag:s5], $0x5800  }
0x147: {  	[sflag:s5] =	ssyncset.done $0x0  }
0x148: {  	s31 =	rddreg [dreg:$0x17];
	[sflag:s5] =	ssyncadd.s32 $0xFFFFA800  }
0x149: {  	[tilespmem:s6], [sflag:$0x1] =	stream.indirect.gather [hbm4b:s3+s4], $0xB00, s31, s4, $0xb8;
	[tilespmem:$0x1B880] =	vst v63  }
0x14a: {  	_ =	swait.ge [sflag:s18], $0x5800  }
0x14b: {  	[sflag:s18] =	ssyncset.done $0x0  }
0x14c: {  	s1 =	rddreg [dreg:$0x5];
	[sflag:s18] =	ssyncadd.s32 $0xFFFFA800  }
0x14d: {  	[hbm4b:s1+s2] =	stream.linear.scatter [tilespmem:s14], [sflag:$0x7], $0x5800, $0x38;
	[tilespmem:$0x1B880] =	vst v63  }
0x14e: {  	_ =	swait.ge [sflag:s10], $0x5800  }
0x14f: {  	[sflag:s10] =	ssyncset.done $0x0  }
0x150: {  	[sflag:s10] =	ssyncadd.s32 $0xFFFFA800  }
0x151: {  	[tilespmem:s14], [sflag:$0x2] =	stream.indirect.gather [hbm4b:s3+s4], $0xB00, s20, s4, $0xb8;
	[tilespmem:$0x1B880] =	vst v63  }
0x152: {  	_ =	swait.ge [sflag:s17], $0x5800  }
0x153: {  	[sflag:s17] =	ssyncset.done $0x0  }
0x154: {  	s20 =	rddreg [dreg:$0x6];
	[sflag:s17] =	ssyncadd.s32 $0xFFFFA800  }
0x155: {  	[hbm4b:s20+s2] =	stream.linear.scatter [tilespmem:s13], [sflag:$0x8], $0x5800, $0x38;
	[tilespmem:$0x1B880] =	vst v63  }
0x156: {  	_ =	swait.ge [sflag:s4], $0x5800  }
0x157: {  	[sflag:s4] =	ssyncset.done $0x0  }
0x158: {  	[sflag:s4] =	ssyncadd.s32 $0xFFFFA800  }
0x159: {  	[tilespmem:s13], [sflag:$0x3] =	stream.indirect.gather [hbm4b:s3+s4], $0xB00, s30, s4, $0xb8;
	[tilespmem:$0x1B880] =	vst v63  }
0x15a: {  	_ =	swait.ge [sflag:s16], $0x5800  }
0x15b: {  	[sflag:s16] =	ssyncset.done $0x0  }
0x15c: {  	s22 =	rddreg [dreg:$0x7];
	[sflag:s16] =	ssyncadd.s32 $0xFFFFA800  }
0x15d: {  	[hbm4b:s22+s2] =	stream.linear.scatter [tilespmem:s12], [sflag:$0x9], $0x5800, $0x38;
	[tilespmem:$0x1B880] =	vst v63  }
0x15e: {  	_ =	swait.ge [sflag:s7], $0x5800  }
0x15f: {  	[sflag:s7] =	ssyncset.done $0x0  }
0x160: {  	[sflag:s7] =	ssyncadd.s32 $0xFFFFA800  }
0x161: {  	[tilespmem:s12], [sflag:$0x4] =	stream.indirect.gather [hbm4b:s3+s4], $0xB00, s29, s4, $0xb8;
	[tilespmem:$0x1B880] =	vst v63  }
0x162: {  	_ =	swait.ge [sflag:s15], $0x5800  }
0x163: {  	[sflag:s15] =	ssyncset.done $0x0  }
0x164: {  	s30 =	rddreg [dreg:$0x8];
	[sflag:s15] =	ssyncadd.s32 $0xFFFFA800  }
0x165: {  	[hbm4b:s30+s2] =	stream.linear.scatter [tilespmem:s11], [sflag:$0xA], $0x5800, $0x38;
	[tilespmem:$0x1B880] =	vst v63  }
0x166: {  	_ =	swait.ge [sflag:s8], $0x5800  }
0x167: {  	[sflag:s8] =	ssyncset.done $0x0  }
0x168: {  	[sflag:s8] =	ssyncadd.s32 $0xFFFFA800  }
0x169: {  	[tilespmem:s11], [sflag:$0x5] =	stream.indirect.gather [hbm4b:s3+s4], $0xB00, s28, s4, $0xb8;
	[tilespmem:$0x1B880] =	vst v63  }
0x16a: {  	_ =	swait.ge [sflag:s9], $0x5800  }
0x16b: {  	[sflag:s9] =	ssyncset.done $0x0  }
0x16c: {  	s31 =	rddreg [dreg:$0x9];
	[sflag:s9] =	ssyncadd.s32 $0xFFFFA800  }
0x16d: {  	[hbm4b:s31+s2] =	stream.linear.scatter [tilespmem:s6], [sflag:$0x6], $0x5800, $0x38;
	[tilespmem:$0x1B880] =	vst v63  }
0x16e: {  	_ =	swait.ge [sflag:s5], $0x5800  }
0x16f: {  	[sflag:s5] =	ssyncset.done $0x0  }
0x170: {  	[sflag:s5] =	ssyncadd.s32 $0xFFFFA800  }
0x171: {  	[tilespmem:s6], [sflag:$0x1] =	stream.indirect.gather [hbm4b:s3+s4], $0xB00, s26, s4, $0xb8;
	[tilespmem:$0x1B880] =	vst v63  }
0x172: {  	_ =	swait.ge [sflag:s18], $0x5800  }
0x173: {  	[sflag:s18] =	ssyncset.done $0x0  }
0x174: {  	s1 =	rddreg [dreg:$0xa];
	[sflag:s18] =	ssyncadd.s32 $0xFFFFA800  }
0x175: {  	[hbm4b:s1+s2] =	stream.linear.scatter [tilespmem:s14], [sflag:$0x7], $0x5800, $0x38;
	[tilespmem:$0x1B880] =	vst v63  }
0x176: {  	_ =	swait.ge [sflag:s10], $0x5800  }
0x177: {  	[sflag:s10] =	ssyncset.done $0x0  }
0x178: {  	[sflag:s10] =	ssyncadd.s32 $0xFFFFA800  }
0x179: {  	[tilespmem:s14], [sflag:$0x2] =	stream.indirect.gather [hbm4b:s3+s4], $0xB00, s25, s4, $0xb8;
	[tilespmem:$0x1B880] =	vst v63  }
0x17a: {  	_ =	swait.ge [sflag:s17], $0x5800  }
0x17b: {  	[sflag:s17] =	ssyncset.done $0x0  }
0x17c: {  	s20 =	rddreg [dreg:$0xb];
	[sflag:s17] =	ssyncadd.s32 $0xFFFFA800  }
0x17d: {  	[hbm4b:s20+s2] =	stream.linear.scatter [tilespmem:s13], [sflag:$0x8], $0x5800, $0x38;
	[tilespmem:$0x1B880] =	vst v63  }
0x17e: {  	_ =	swait.ge [sflag:s4], $0x5800  }
0x17f: {  	[sflag:s4] =	ssyncset.done $0x0  }
0x180: {  	[sflag:s4] =	ssyncadd.s32 $0xFFFFA800  }
0x181: {  	[tilespmem:s13], [sflag:$0x3] =	stream.indirect.gather [hbm4b:s3+s4], $0xB00, s24, s4, $0xb8;
	[tilespmem:$0x1B880] =	vst v63  }
0x182: {  	_ =	swait.ge [sflag:s16], $0x5800  }
0x183: {  	[sflag:s16] =	ssyncset.done $0x0  }
0x184: {  	s22 =	rddreg [dreg:$0xc];
	[sflag:s16] =	ssyncadd.s32 $0xFFFFA800  }
0x185: {  	[hbm4b:s22+s2] =	stream.linear.scatter [tilespmem:s12], [sflag:$0x9], $0x5800, $0x38;
	[tilespmem:$0x1B880] =	vst v63  }
0x186: {  	_ =	swait.ge [sflag:s7], $0x5800  }
0x187: {  	[sflag:s7] =	ssyncset.done $0x0  }
0x188: {  	[sflag:s7] =	ssyncadd.s32 $0xFFFFA800  }
0x189: {  	[tilespmem:s12], [sflag:$0x4] =	stream.indirect.gather [hbm4b:s3+s4], $0xB00, s23, s4, $0xb8;
	[tilespmem:$0x1B880] =	vst v63  }
0x18a: {  	_ =	swait.ge [sflag:s15], $0x5800  }
0x18b: {  	[sflag:s15] =	ssyncset.done $0x0  }
0x18c: {  	s23 =	rddreg [dreg:$0xd];
	[sflag:s15] =	ssyncadd.s32 $0xFFFFA800  }
0x18d: {  	[hbm4b:s23+s2] =	stream.linear.scatter [tilespmem:s11], [sflag:$0xA], $0x5800, $0x38;
	[tilespmem:$0x1B880] =	vst v63  }
0x18e: {  	_ =	swait.ge [sflag:s8], $0x5800  }
0x18f: {  	[sflag:s8] =	ssyncset.done $0x0  }
0x190: {  	[sflag:s8] =	ssyncadd.s32 $0xFFFFA800  }
0x191: {  	[tilespmem:s11], [sflag:$0x5] =	stream.indirect.gather [hbm4b:s3+s4], $0xB00, s21, s4, $0xb8;
	[tilespmem:$0x1B880] =	vst v63  }
0x192: {  	_ =	swait.ge [sflag:s9], $0x5800  }
0x193: {  	[sflag:s9] =	ssyncset.done $0x0  }
0x194: {  	s24 =	rddreg [dreg:$0xe];
	[sflag:s9] =	ssyncadd.s32 $0xFFFFA800  }
0x195: {  	[hbm4b:s24+s2] =	stream.linear.scatter [tilespmem:s6], [sflag:$0x6], $0x5800, $0x38;
	[tilespmem:$0x1B880] =	vst v63  }
0x196: {  	_ =	swait.ge [sflag:s5], $0x5800  }
0x197: {  	[sflag:s5] =	ssyncset.done $0x0  }
0x198: {  	s25 =	simm.s32 $0x78;
	[sflag:s5] =	ssyncadd.s32 $0xFFFFA800  }
0x199: {  	[tilespmem:s6], [sflag:$0x1] =	stream.indirect.gather [hbm4b:s3+s4], $0xB00, s25, s4, $0xb8;
	[tilespmem:$0x1B880] =	vst v63  }
0x19a: {  	_ =	swait.ge [sflag:s18], $0x5800  }
0x19b: {  	[sflag:s18] =	ssyncset.done $0x0  }
0x19c: {  	s26 =	rddreg [dreg:$0xf];
	[sflag:s18] =	ssyncadd.s32 $0xFFFFA800  }
0x19d: {  	[hbm4b:s26+s2] =	stream.linear.scatter [tilespmem:s14], [sflag:$0x7], $0x5800, $0x38;
	[tilespmem:$0x1B880] =	vst v63  }
0x19e: {  	_ =	swait.ge [sflag:s17], $0x5800  }
0x19f: {  	[sflag:s17] =	ssyncset.done $0x0  }
0x1a0: {  	s28 =	rddreg [dreg:$0x10];
	[sflag:s17] =	ssyncadd.s32 $0xFFFFA800  }
0x1a1: {  	[hbm4b:s28+s2] =	stream.linear.scatter [tilespmem:s13], [sflag:$0x8], $0x5800, $0x38;
	[tilespmem:$0x1B880] =	vst v63  }
0x1a2: {  	_ =	swait.ge [sflag:s16], $0x5800  }
0x1a3: {  	[sflag:s16] =	ssyncset.done $0x0  }
0x1a4: {  	s29 =	rddreg [dreg:$0x11];
	[sflag:s16] =	ssyncadd.s32 $0xFFFFA800  }
0x1a5: {  	[hbm4b:s29+s2] =	stream.linear.scatter [tilespmem:s12], [sflag:$0x9], $0x5800, $0x38;
	[tilespmem:$0x1B880] =	vst v63  }
0x1a6: {  	_ =	swait.ge [sflag:s15], $0x5800  }
0x1a7: {  	[sflag:s15] =	ssyncset.done $0x0  }
0x1a8: {  	s30 =	rddreg [dreg:$0x12];
	[sflag:s15] =	ssyncadd.s32 $0xFFFFA800  }
0x1a9: {  	[hbm4b:s30+s2] =	stream.linear.scatter [tilespmem:s11], [sflag:$0xA], $0x5800, $0x38;
	[tilespmem:$0x1B880] =	vst v63  }
0x1aa: {  	_ =	swait.ge [sflag:s9], $0x5800  }
0x1ab: {  	[sflag:s9] =	ssyncset.done $0x0  }
0x1ac: {  	s31 =	rddreg [dreg:$0x13];
	[sflag:s9] =	ssyncadd.s32 $0xFFFFA800  }
0x1ad: {  	[hbm4b:s31+s2] =	stream.linear.scatter [tilespmem:s6], [sflag:$0x6], $0x5800, $0x38;
	[tilespmem:$0x1B880] =	vst v63  }
0x1ae: {  	_ =	swait.ge [sflag:s10], $0x5800  }
0x1af: {  	[sflag:s10] =	ssyncset.done $0x0  }
0x1b0: {  	[sflag:s10] =	ssyncadd.s32 $0xFFFFA800  }
0x1b1: {  	_ =	swait.ge [sflag:s4], $0x5800  }
0x1b2: {  	[sflag:s4] =	ssyncset.done $0x0  }
0x1b3: {  	[sflag:s4] =	ssyncadd.s32 $0xFFFFA800  }
0x1b4: {  	_ =	swait.ge [sflag:s7], $0x5800  }
0x1b5: {  	[sflag:s7] =	ssyncset.done $0x0  }
0x1b6: {  	[sflag:s7] =	ssyncadd.s32 $0xFFFFA800  }
0x1b7: {  	_ =	swait.ge [sflag:s8], $0x5800  }
0x1b8: {  	[sflag:s8] =	ssyncset.done $0x0  }
0x1b9: {  	[sflag:s8] =	ssyncadd.s32 $0xFFFFA800  }
0x1ba: {  	_ =	swait.ge [sflag:s5], $0x5800  }
0x1bb: {  	[sflag:s5] =	ssyncset.done $0x0  }
0x1bc: {  	[sflag:s5] =	ssyncadd.s32 $0xFFFFA800  }
0x1bd: {  	_ =	sfence.sel $0x180000  }
0x1be: {  	[bflag:$0x0] =	sbarrier.arrive $0xFFFF  }
0x1bf: {  	_ =	strace $0x90000047  }
0x1c0: {  	[bflag:$0x2] =	sbarrier.arrive $0xFFFF  }
0x1c1: {  	p0 =	sne.s32 s19, $0x0;
	s0 =	rddreg [dreg:$0x3]  }
0x1c2: {  	s0 =	sadd.s32 @!p0 $0x100000, s0  }
0x1c3: {  	[sflag:s0] =	ssyncadd.tile.s32 @!p0 $0x1;
	_ =	shalt  }
.LBB2_1:
.Ltmp3:
0x1c4: {  	(pc) =	sbr.rel .LBB2_6-.Ltmp3, $4  }
0x1c5: {  	_ = 	snop  }
0x1c6: {  	s20 =	simm.s32 $0x30;
	s30 =	simm.s32 $0x38;
	s29 =	simm.s32 $0x40  }
0x1c7: {  	s28 =	simm.s32 $0x48;
	s26 =	simm.s32 $0x50;
	s25 =	simm.s32 $0x58  }
0x1c8: {  	s24 =	simm.s32 $0x60;
	s23 =	simm.s32 $0x68;
	s21 =	simm.s32 $0x70  }
.LBB2_3:
.Ltmp4:
0x1c9: {  	(pc) =	sbr.rel .LBB2_6-.Ltmp4, $4  }
0x1ca: {  	s20 =	simm.s32 $0x30  }
0x1cb: {  	s30 =	simm.s32 $0x38;
	s29 =	simm.s32 $0x40;
	s28 =	simm.s32 $0x48  }
0x1cc: {  	s26 =	simm.s32 $0x50;
	s25 =	simm.s32 $0x58;
	s24 =	simm.s32 $0x60  }
0x1cd: {  	s23 =	simm.s32 $0x68;
	s21 =	simm.s32 $0x70;
	s19 =	stileid.u32  }
.Lfunc_end2:
_tile_overlayer_lowered:
.L_overlay_start_2:
0x1ce: {  	(tag) =	ssettag $0x2  }
0x1cf: {  	s0 =	rddreg [dreg:$0x0];
	s2 =	stileid.u32  }
0x1d0: {  	s1 =	rddreg [dreg:$0x1];
	p0 =	sne.s32 s2, $0x0  }
0x1d1: {  	s3 =	rddreg [dreg:$0x2];
	[bflag:$0x3] =	sbarrier.arrive $0xFFFF;
	s2 =	simm.s32 @!p0 $0x1C0B  }
0x1d2: {  	[timem:s3], [sflag:s2] =	dma.local @!p0 [hbm:s0], s1  }
0x1d3: {  	s0 =	simm.s32 @!p0 $0xB  }
0x1d4: {  	_ =	swait.ge @!p0 [sflag:s0], s1  }
0x1d5: {  	s1 =	ssub.s32 @!p0 $0x0, s1;
	[sflag:s0] =	ssyncset.done @!p0 $0x0  }
0x1d6: {  	[sflag:s0] =	ssyncadd.s32 @!p0 s1  }
0x1d7: {  	[bflag:$0x3] =	sbarrier.arrive $0xFFFF  }
0x1d8: {  	_ =	shalt  }

</sc_bundles>
